<compile_context>
chip_gen: v7x
topology: tpu7x:2x2x1
jax: 0.10.2.dev20260603
libtpu: 0.0.44.dev20260713+nightly
codegen_flags: <defaults>
</compile_context>

<pallas_src>
import functools

import jax
import jax.numpy as jnp
from jax import lax
from jax.experimental import pallas as pl
from jax.experimental.pallas import tpu as pltpu
from jax.experimental.pallas import tpu_sc as plsc

NUM_USERS = 100000
NUM_ITEMS = 100000
EMB = 128
BATCH = 16384
LANES = 16
GROUPS = EMB // LANES

_info = plsc.get_sparse_core_info()
NC, NS = _info.num_cores, _info.num_subcores
NW = NC * NS
B_PER_W = BATCH // NW
CHUNK = 128
NCHUNK = B_PER_W // CHUNK
NACC = 4
DUNROLL = 8


def _bpr_body(user_hbm, pos_hbm, neg_hbm, uemb_hbm, iemb_hbm,
              pos_out_hbm, neg_out_hbm,
              uidx_v, pidx_v, nidx_v, u_rows, p_rows, n_rows,
              pos_o, neg_o, sem0, sem1):
    wid = lax.axis_index("s") * NC + lax.axis_index("c")
    base = wid * B_PER_W
    sems = (sem0, sem1)

    ci = pltpu.async_copy(user_hbm.at[pl.ds(base, B_PER_W)], uidx_v, sem0)
    cp = pltpu.async_copy(pos_hbm.at[pl.ds(base, B_PER_W)], pidx_v, sem0)
    cn = pltpu.async_copy(neg_hbm.at[pl.ds(base, B_PER_W)], nidx_v, sem0)
    ci.wait()
    cp.wait()
    cn.wait()

    def start(c):
        buf = c % 2
        dst = pl.ds(buf * CHUNK, CHUNK)
        src = pl.ds(c * CHUNK, CHUNK)
        sem = sems[buf]
        return (
            pltpu.async_copy(uemb_hbm.at[uidx_v.at[src]], u_rows.at[dst], sem),
            pltpu.async_copy(iemb_hbm.at[pidx_v.at[src]], p_rows.at[dst], sem),
            pltpu.async_copy(iemb_hbm.at[nidx_v.at[src]], n_rows.at[dst], sem),
        )

    lane = lax.iota(jnp.int32, LANES)
    zero = jnp.zeros((LANES,), jnp.float32)

    def compute(c):
        buf = c % 2

        def body(grp, _):
            row = buf * CHUNK + grp * LANES + lane

            def d_body(db, carry):
                pacc = list(carry[:NACC])
                nacc = list(carry[NACC:])
                for k in range(DUNROLL):
                    col = (jnp.broadcast_to(db * DUNROLL + k, (LANES,))
                           + lane) & (EMB - 1)
                    u = plsc.load_gather(u_rows, [row, col])
                    p = plsc.load_gather(p_rows, [row, col])
                    n = plsc.load_gather(n_rows, [row, col])
                    pacc[k % NACC] = pacc[k % NACC] + u * p
                    nacc[k % NACC] = nacc[k % NACC] + u * n
                return tuple(pacc) + tuple(nacc)

            accs = lax.fori_loop(0, EMB // DUNROLL, d_body,
                                 (zero,) * (2 * NACC))
            pos_vec = (accs[0] + accs[1]) + (accs[2] + accs[3])
            neg_vec = (accs[4] + accs[5]) + (accs[6] + accs[7])
            pos_o[pl.ds(c * CHUNK + grp * LANES, LANES)] = pos_vec
            neg_o[pl.ds(c * CHUNK + grp * LANES, LANES)] = neg_vec
            return 0

        lax.fori_loop(0, CHUNK // LANES, body, 0)

    inflight = start(0)
    for c in range(NCHUNK):
        nxt = start(c + 1) if c + 1 < NCHUNK else None
        for d in inflight:
            d.wait()
        compute(c)
        inflight = nxt

    pltpu.sync_copy(pos_o, pos_out_hbm.at[pl.ds(base, B_PER_W)])
    pltpu.sync_copy(neg_o, neg_out_hbm.at[pl.ds(base, B_PER_W)])


@jax.jit
def _bpr(user, pos_item, neg_item, user_emb, item_emb):
    mesh = plsc.VectorSubcoreMesh(core_axis_name="c", subcore_axis_name="s")
    f = pl.kernel(
        _bpr_body,
        out_type=(
            jax.ShapeDtypeStruct((BATCH,), jnp.float32),
            jax.ShapeDtypeStruct((BATCH,), jnp.float32),
        ),
        mesh=mesh,
        compiler_params=pltpu.CompilerParams(needs_layout_passes=False),
        scratch_types=[
            pltpu.VMEM((B_PER_W,), jnp.int32),
            pltpu.VMEM((B_PER_W,), jnp.int32),
            pltpu.VMEM((B_PER_W,), jnp.int32),
            pltpu.VMEM((2 * CHUNK, EMB), jnp.float32),
            pltpu.VMEM((2 * CHUNK, EMB), jnp.float32),
            pltpu.VMEM((2 * CHUNK, EMB), jnp.float32),
            pltpu.VMEM((B_PER_W,), jnp.float32),
            pltpu.VMEM((B_PER_W,), jnp.float32),
            pltpu.SemaphoreType.DMA,
            pltpu.SemaphoreType.DMA,
        ],
    )
    return f(user, pos_item, neg_item, user_emb, item_emb)


def kernel(user, pos_item, neg_item, user_emb, item_emb):
    return _bpr(user.astype(jnp.int32), pos_item.astype(jnp.int32),
                neg_item.astype(jnp.int32), user_emb, item_emb)

# --- scband reference (transcript-rebuilt; emitter-appended) ---
"""Pipeline reference for scband-bprmodel-32641751450092 (READ-ONLY COPY).

The authoritative reference and input builder live on the scoring server;
editing this copy changes nothing except your own understanding.
"""

import jax, jax.numpy as jnp
import numpy as np

NUM_USERS = 100000
NUM_ITEMS = 100000
EMB_DIM = 128
BATCH = 16384

def setup_inputs(seed: int = 0) -> dict:
    key = jax.random.key(seed)
    k1, k2, k3, k4, k5 = jax.random.split(key, 5)
    user = jax.random.randint(k1, (BATCH,), 0, NUM_USERS, dtype=jnp.int64) if jax.config.jax_enable_x64 else jax.random.randint(k1, (BATCH,), 0, NUM_USERS).astype(jnp.int32)
    pos_item = jax.random.randint(k2, (BATCH,), 0, NUM_ITEMS).astype(user.dtype)
    neg_item = jax.random.randint(k3, (BATCH,), 0, NUM_ITEMS).astype(user.dtype)
    # Xavier uniform init: bound = sqrt(6 / (fan_in + fan_out))
    bu = np.sqrt(6.0 / (NUM_USERS + EMB_DIM))
    bi = np.sqrt(6.0 / (NUM_ITEMS + EMB_DIM))
    user_emb = jax.random.uniform(k4, (NUM_USERS, EMB_DIM), jnp.float32, -bu, bu)
    item_emb = jax.random.uniform(k5, (NUM_ITEMS, EMB_DIM), jnp.float32, -bi, bi)
    return {"user": user, "pos_item": pos_item, "neg_item": neg_item, "user_emb": user_emb, "item_emb": item_emb}

def reference(user, pos_item, neg_item, user_emb, item_emb):
    u = jnp.take(user_emb, user, axis=0)
    p = jnp.take(item_emb, pos_item, axis=0)
    n = jnp.take(item_emb, neg_item, axis=0)
    pos_score = jnp.sum(u * p, axis=-1)
    neg_score = jnp.sum(u * n, axis=-1)
    return (pos_score, neg_score)

if __name__ == "__main__":
    import jax
    _d = setup_inputs()
    print(jax.jit(kernel)(*tuple(_d.values())))

</pallas_src>

<mosaic_0001>
#map = affine_map<(d0, d1) -> (0)>
#map1 = affine_map<(d0, d1) -> (0, 0)>
module attributes {stable_mosaic.version = 14 : i64} {
  func.func @_bpr_body(%arg0: i32, %arg1: i32, %arg2: memref<16384xi32, #tpu.memory_space<hbm>>, %arg3: memref<16384xi32, #tpu.memory_space<hbm>>, %arg4: memref<16384xi32, #tpu.memory_space<hbm>>, %arg5: memref<100000x128xf32, #tpu.memory_space<hbm>>, %arg6: memref<100000x128xf32, #tpu.memory_space<hbm>>, %arg7: memref<16384xf32, #tpu.memory_space<hbm>>, %arg8: memref<16384xf32, #tpu.memory_space<hbm>>, %arg9: memref<512xi32, #tpu.memory_space<vmem>>, %arg10: memref<512xi32, #tpu.memory_space<vmem>>, %arg11: memref<512xi32, #tpu.memory_space<vmem>>, %arg12: memref<256x128xf32, #tpu.memory_space<vmem>>, %arg13: memref<256x128xf32, #tpu.memory_space<vmem>>, %arg14: memref<256x128xf32, #tpu.memory_space<vmem>>, %arg15: memref<512xf32, #tpu.memory_space<vmem>>, %arg16: memref<512xf32, #tpu.memory_space<vmem>>, %arg17: memref<!tpu.dma_semaphore, #tpu.memory_space<semaphore_mem>>, %arg18: memref<!tpu.dma_semaphore, #tpu.memory_space<semaphore_mem>>) attributes {dimension_semantics = [#tpu.dimension_semantics<core_parallel>, #tpu.dimension_semantics<subcore_parallel>], iteration_bounds = array<i64: 2, 16>, scalar_prefetch = 0 : i64, scratch_operands = 10 : i64, tpu.core_type = #tpu.core_type<sc_vector_subcore>, window_params = [{transform_indices = #map}, {transform_indices = #map}, {transform_indices = #map}, {transform_indices = #map1}, {transform_indices = #map1}, {transform_indices = #map}, {transform_indices = #map}]} {
    %mul3A = arith.constant 2 : i32
    %mul3A_0 = arith.muli %arg1, %mul3A : i32
    %add3A = arith.addi %mul3A_0, %arg0 : i32
    %mul3A_1 = arith.constant 512 : i32
    %mul3A_2 = arith.muli %add3A, %mul3A_1 : i32
    %dma_start3A = tpu.memref_slice %arg2[%mul3A_2] : memref<16384xi32, #tpu.memory_space<hbm>> -> memref<512xi32, #tpu.memory_space<hbm>>
    %dma_start3A_3 = tpu.memref_slice %arg2[%mul3A_2] : memref<16384xi32, #tpu.memory_space<hbm>> -> memref<512xi32, #tpu.memory_space<hbm>>
    tpu.enqueue_dma source(%dma_start3A_3 : memref<512xi32, #tpu.memory_space<hbm>>) target(%arg9 : memref<512xi32, #tpu.memory_space<vmem>>) target_semaphore(%arg17 : memref<!tpu.dma_semaphore, #tpu.memory_space<semaphore_mem>>)
    %dma_start3A_4 = tpu.memref_slice %arg3[%mul3A_2] : memref<16384xi32, #tpu.memory_space<hbm>> -> memref<512xi32, #tpu.memory_space<hbm>>
    %dma_start3A_5 = tpu.memref_slice %arg3[%mul3A_2] : memref<16384xi32, #tpu.memory_space<hbm>> -> memref<512xi32, #tpu.memory_space<hbm>>
    tpu.enqueue_dma source(%dma_start3A_5 : memref<512xi32, #tpu.memory_space<hbm>>) target(%arg10 : memref<512xi32, #tpu.memory_space<vmem>>) target_semaphore(%arg17 : memref<!tpu.dma_semaphore, #tpu.memory_space<semaphore_mem>>)
    %dma_start3A_6 = tpu.memref_slice %arg4[%mul3A_2] : memref<16384xi32, #tpu.memory_space<hbm>> -> memref<512xi32, #tpu.memory_space<hbm>>
    %dma_start3A_7 = tpu.memref_slice %arg4[%mul3A_2] : memref<16384xi32, #tpu.memory_space<hbm>> -> memref<512xi32, #tpu.memory_space<hbm>>
    tpu.enqueue_dma source(%dma_start3A_7 : memref<512xi32, #tpu.memory_space<hbm>>) target(%arg11 : memref<512xi32, #tpu.memory_space<vmem>>) target_semaphore(%arg17 : memref<!tpu.dma_semaphore, #tpu.memory_space<semaphore_mem>>)
    %dma_wait3A = tpu.memref_slice %arg2[%mul3A_2] : memref<16384xi32, #tpu.memory_space<hbm>> -> memref<512xi32, #tpu.memory_space<hbm>>
    %dma_wait3A_8 = tpu.memref_slice %arg2[%mul3A_2] : memref<16384xi32, #tpu.memory_space<hbm>> -> memref<512xi32, #tpu.memory_space<hbm>>
    tpu.wait_dma2 semaphore(%arg17 : memref<!tpu.dma_semaphore, #tpu.memory_space<semaphore_mem>>) src(%dma_wait3A_8 : memref<512xi32, #tpu.memory_space<hbm>>) dst(%arg9 : memref<512xi32, #tpu.memory_space<vmem>>)
    %dma_wait3A_9 = tpu.memref_slice %arg3[%mul3A_2] : memref<16384xi32, #tpu.memory_space<hbm>> -> memref<512xi32, #tpu.memory_space<hbm>>
    %dma_wait3A_10 = tpu.memref_slice %arg3[%mul3A_2] : memref<16384xi32, #tpu.memory_space<hbm>> -> memref<512xi32, #tpu.memory_space<hbm>>
    tpu.wait_dma2 semaphore(%arg17 : memref<!tpu.dma_semaphore, #tpu.memory_space<semaphore_mem>>) src(%dma_wait3A_10 : memref<512xi32, #tpu.memory_space<hbm>>) dst(%arg10 : memref<512xi32, #tpu.memory_space<vmem>>)
    %dma_wait3A_11 = tpu.memref_slice %arg4[%mul3A_2] : memref<16384xi32, #tpu.memory_space<hbm>> -> memref<512xi32, #tpu.memory_space<hbm>>
    %dma_wait3A_12 = tpu.memref_slice %arg4[%mul3A_2] : memref<16384xi32, #tpu.memory_space<hbm>> -> memref<512xi32, #tpu.memory_space<hbm>>
    tpu.wait_dma2 semaphore(%arg17 : memref<!tpu.dma_semaphore, #tpu.memory_space<semaphore_mem>>) src(%dma_wait3A_12 : memref<512xi32, #tpu.memory_space<hbm>>) dst(%arg11 : memref<512xi32, #tpu.memory_space<vmem>>)
    %iota3A = tpu.iota {dimensions = array<i32: 0>} : vector<16xi32>
    %broadcast_in_dim3A = arith.constant 0.000000e+00 : f32
    %broadcast_in_dim3A_13 = vector.broadcast %broadcast_in_dim3A : f32 to vector<16xf32>
    %dma_start3A_14 = arith.constant 0 : i32
    %dma_start3A_15 = arith.constant 0 : i32
    %dma_start3A_16 = tpu.memref_slice %arg12[%dma_start3A_14, %dma_start3A_15] : memref<256x128xf32, #tpu.memory_space<vmem>> -> memref<128x128xf32, #tpu.memory_space<vmem>>
    %dma_start3A_17 = arith.constant 0 : i32
    %dma_start3A_18 = tpu.memref_slice %arg9[%dma_start3A_17] : memref<512xi32, #tpu.memory_space<vmem>> -> memref<128xi32, #tpu.memory_space<vmem>>
    %dma_start3A_19 = arith.constant 0 : i32
    %dma_start3A_20 = arith.constant 0 : i32
    %dma_start3A_21 = tpu.memref_slice %arg5[%dma_start3A_19, %dma_start3A_20] : memref<100000x128xf32, #tpu.memory_space<hbm>> -> memref<100000x128xf32, #tpu.memory_space<hbm>>
    tpu.enqueue_indirect_dma source(%dma_start3A_21 : memref<100000x128xf32, #tpu.memory_space<hbm>>) target(%dma_start3A_16 : memref<128x128xf32, #tpu.memory_space<vmem>>) offsets(%dma_start3A_18 : memref<128xi32, #tpu.memory_space<vmem>>) semaphore(%arg17 : memref<!tpu.dma_semaphore, #tpu.memory_space<semaphore_mem>>)
    %dma_start3A_22 = arith.constant 0 : i32
    %dma_start3A_23 = arith.constant 0 : i32
    %dma_start3A_24 = tpu.memref_slice %arg13[%dma_start3A_22, %dma_start3A_23] : memref<256x128xf32, #tpu.memory_space<vmem>> -> memref<128x128xf32, #tpu.memory_space<vmem>>
    %dma_start3A_25 = arith.constant 0 : i32
    %dma_start3A_26 = tpu.memref_slice %arg10[%dma_start3A_25] : memref<512xi32, #tpu.memory_space<vmem>> -> memref<128xi32, #tpu.memory_space<vmem>>
    %dma_start3A_27 = arith.constant 0 : i32
    %dma_start3A_28 = arith.constant 0 : i32
    %dma_start3A_29 = tpu.memref_slice %arg6[%dma_start3A_27, %dma_start3A_28] : memref<100000x128xf32, #tpu.memory_space<hbm>> -> memref<100000x128xf32, #tpu.memory_space<hbm>>
    tpu.enqueue_indirect_dma source(%dma_start3A_29 : memref<100000x128xf32, #tpu.memory_space<hbm>>) target(%dma_start3A_24 : memref<128x128xf32, #tpu.memory_space<vmem>>) offsets(%dma_start3A_26 : memref<128xi32, #tpu.memory_space<vmem>>) semaphore(%arg17 : memref<!tpu.dma_semaphore, #tpu.memory_space<semaphore_mem>>)
    %dma_start3A_30 = arith.constant 0 : i32
    %dma_start3A_31 = arith.constant 0 : i32
    %dma_start3A_32 = tpu.memref_slice %arg14[%dma_start3A_30, %dma_start3A_31] : memref<256x128xf32, #tpu.memory_space<vmem>> -> memref<128x128xf32, #tpu.memory_space<vmem>>
    %dma_start3A_33 = arith.constant 0 : i32
    %dma_start3A_34 = tpu.memref_slice %arg11[%dma_start3A_33] : memref<512xi32, #tpu.memory_space<vmem>> -> memref<128xi32, #tpu.memory_space<vmem>>
    %dma_start3A_35 = arith.constant 0 : i32
    %dma_start3A_36 = arith.constant 0 : i32
    %dma_start3A_37 = tpu.memref_slice %arg6[%dma_start3A_35, %dma_start3A_36] : memref<100000x128xf32, #tpu.memory_space<hbm>> -> memref<100000x128xf32, #tpu.memory_space<hbm>>
    tpu.enqueue_indirect_dma source(%dma_start3A_37 : memref<100000x128xf32, #tpu.memory_space<hbm>>) target(%dma_start3A_32 : memref<128x128xf32, #tpu.memory_space<vmem>>) offsets(%dma_start3A_34 : memref<128xi32, #tpu.memory_space<vmem>>) semaphore(%arg17 : memref<!tpu.dma_semaphore, #tpu.memory_space<semaphore_mem>>)
    %dma_start3A_38 = arith.constant 128 : i32
    %dma_start3A_39 = arith.constant 0 : i32
    %dma_start3A_40 = tpu.memref_slice %arg12[%dma_start3A_38, %dma_start3A_39] : memref<256x128xf32, #tpu.memory_space<vmem>> -> memref<128x128xf32, #tpu.memory_space<vmem>>
    %dma_start3A_41 = arith.constant 128 : i32
    %dma_start3A_42 = tpu.memref_slice %arg9[%dma_start3A_41] : memref<512xi32, #tpu.memory_space<vmem>> -> memref<128xi32, #tpu.memory_space<vmem>>
    %dma_start3A_43 = arith.constant 0 : i32
    %dma_start3A_44 = arith.constant 0 : i32
    %dma_start3A_45 = tpu.memref_slice %arg5[%dma_start3A_43, %dma_start3A_44] : memref<100000x128xf32, #tpu.memory_space<hbm>> -> memref<100000x128xf32, #tpu.memory_space<hbm>>
    tpu.enqueue_indirect_dma source(%dma_start3A_45 : memref<100000x128xf32, #tpu.memory_space<hbm>>) target(%dma_start3A_40 : memref<128x128xf32, #tpu.memory_space<vmem>>) offsets(%dma_start3A_42 : memref<128xi32, #tpu.memory_space<vmem>>) semaphore(%arg18 : memref<!tpu.dma_semaphore, #tpu.memory_space<semaphore_mem>>)
    %dma_start3A_46 = arith.constant 128 : i32
    %dma_start3A_47 = arith.constant 0 : i32
    %dma_start3A_48 = tpu.memref_slice %arg13[%dma_start3A_46, %dma_start3A_47] : memref<256x128xf32, #tpu.memory_space<vmem>> -> memref<128x128xf32, #tpu.memory_space<vmem>>
    %dma_start3A_49 = arith.constant 128 : i32
    %dma_start3A_50 = tpu.memref_slice %arg10[%dma_start3A_49] : memref<512xi32, #tpu.memory_space<vmem>> -> memref<128xi32, #tpu.memory_space<vmem>>
    %dma_start3A_51 = arith.constant 0 : i32
    %dma_start3A_52 = arith.constant 0 : i32
    %dma_start3A_53 = tpu.memref_slice %arg6[%dma_start3A_51, %dma_start3A_52] : memref<100000x128xf32, #tpu.memory_space<hbm>> -> memref<100000x128xf32, #tpu.memory_space<hbm>>
    tpu.enqueue_indirect_dma source(%dma_start3A_53 : memref<100000x128xf32, #tpu.memory_space<hbm>>) target(%dma_start3A_48 : memref<128x128xf32, #tpu.memory_space<vmem>>) offsets(%dma_start3A_50 : memref<128xi32, #tpu.memory_space<vmem>>) semaphore(%arg18 : memref<!tpu.dma_semaphore, #tpu.memory_space<semaphore_mem>>)
    %dma_start3A_54 = arith.constant 128 : i32
    %dma_start3A_55 = arith.constant 0 : i32
    %dma_start3A_56 = tpu.memref_slice %arg14[%dma_start3A_54, %dma_start3A_55] : memref<256x128xf32, #tpu.memory_space<vmem>> -> memref<128x128xf32, #tpu.memory_space<vmem>>
    %dma_start3A_57 = arith.constant 128 : i32
    %dma_start3A_58 = tpu.memref_slice %arg11[%dma_start3A_57] : memref<512xi32, #tpu.memory_space<vmem>> -> memref<128xi32, #tpu.memory_space<vmem>>
    %dma_start3A_59 = arith.constant 0 : i32
    %dma_start3A_60 = arith.constant 0 : i32
    %dma_start3A_61 = tpu.memref_slice %arg6[%dma_start3A_59, %dma_start3A_60] : memref<100000x128xf32, #tpu.memory_space<hbm>> -> memref<100000x128xf32, #tpu.memory_space<hbm>>
    tpu.enqueue_indirect_dma source(%dma_start3A_61 : memref<100000x128xf32, #tpu.memory_space<hbm>>) target(%dma_start3A_56 : memref<128x128xf32, #tpu.memory_space<vmem>>) offsets(%dma_start3A_58 : memref<128xi32, #tpu.memory_space<vmem>>) semaphore(%arg18 : memref<!tpu.dma_semaphore, #tpu.memory_space<semaphore_mem>>)
    %dma_wait3A_62 = arith.constant 0 : i32
    %dma_wait3A_63 = arith.constant 0 : i32
    %dma_wait3A_64 = tpu.memref_slice %arg12[%dma_wait3A_62, %dma_wait3A_63] : memref<256x128xf32, #tpu.memory_space<vmem>> -> memref<128x128xf32, #tpu.memory_space<vmem>>
    %dma_wait3A_65 = arith.constant 0 : i32
    %dma_wait3A_66 = tpu.memref_slice %arg9[%dma_wait3A_65] : memref<512xi32, #tpu.memory_space<vmem>> -> memref<128xi32, #tpu.memory_space<vmem>>
    %dma_wait3A_67 = arith.constant 0 : i32
    %dma_wait3A_68 = arith.constant 0 : i32
    %dma_wait3A_69 = tpu.memref_slice %arg5[%dma_wait3A_67, %dma_wait3A_68] : memref<100000x128xf32, #tpu.memory_space<hbm>> -> memref<100000x128xf32, #tpu.memory_space<hbm>>
    tpu.wait_indirect_dma semaphore(%arg17 : memref<!tpu.dma_semaphore, #tpu.memory_space<semaphore_mem>>) src(%dma_wait3A_69 : memref<100000x128xf32, #tpu.memory_space<hbm>>) dst(%dma_wait3A_64 : memref<128x128xf32, #tpu.memory_space<vmem>>)
    %dma_wait3A_70 = arith.constant 0 : i32
    %dma_wait3A_71 = arith.constant 0 : i32
    %dma_wait3A_72 = tpu.memref_slice %arg13[%dma_wait3A_70, %dma_wait3A_71] : memref<256x128xf32, #tpu.memory_space<vmem>> -> memref<128x128xf32, #tpu.memory_space<vmem>>
    %dma_wait3A_73 = arith.constant 0 : i32
    %dma_wait3A_74 = tpu.memref_slice %arg10[%dma_wait3A_73] : memref<512xi32, #tpu.memory_space<vmem>> -> memref<128xi32, #tpu.memory_space<vmem>>
    %dma_wait3A_75 = arith.constant 0 : i32
    %dma_wait3A_76 = arith.constant 0 : i32
    %dma_wait3A_77 = tpu.memref_slice %arg6[%dma_wait3A_75, %dma_wait3A_76] : memref<100000x128xf32, #tpu.memory_space<hbm>> -> memref<100000x128xf32, #tpu.memory_space<hbm>>
    tpu.wait_indirect_dma semaphore(%arg17 : memref<!tpu.dma_semaphore, #tpu.memory_space<semaphore_mem>>) src(%dma_wait3A_77 : memref<100000x128xf32, #tpu.memory_space<hbm>>) dst(%dma_wait3A_72 : memref<128x128xf32, #tpu.memory_space<vmem>>)
    %dma_wait3A_78 = arith.constant 0 : i32
    %dma_wait3A_79 = arith.constant 0 : i32
    %dma_wait3A_80 = tpu.memref_slice %arg14[%dma_wait3A_78, %dma_wait3A_79] : memref<256x128xf32, #tpu.memory_space<vmem>> -> memref<128x128xf32, #tpu.memory_space<vmem>>
    %dma_wait3A_81 = arith.constant 0 : i32
    %dma_wait3A_82 = tpu.memref_slice %arg11[%dma_wait3A_81] : memref<512xi32, #tpu.memory_space<vmem>> -> memref<128xi32, #tpu.memory_space<vmem>>
    %dma_wait3A_83 = arith.constant 0 : i32
    %dma_wait3A_84 = arith.constant 0 : i32
    %dma_wait3A_85 = tpu.memref_slice %arg6[%dma_wait3A_83, %dma_wait3A_84] : memref<100000x128xf32, #tpu.memory_space<hbm>> -> memref<100000x128xf32, #tpu.memory_space<hbm>>
    tpu.wait_indirect_dma semaphore(%arg17 : memref<!tpu.dma_semaphore, #tpu.memory_space<semaphore_mem>>) src(%dma_wait3A_85 : memref<100000x128xf32, #tpu.memory_space<hbm>>) dst(%dma_wait3A_80 : memref<128x128xf32, #tpu.memory_space<vmem>>)
    %scan3A = arith.constant 0 : i32
    %scan3A_86 = arith.constant 0 : i32
    %scan3A_87 = arith.constant 8 : i32
    %scan3A_88 = arith.addi %scan3A_86, %scan3A_87 : i32
    %scan3A_89 = arith.constant 1 : i32
    %scan3A_90 = scf.for %scan3A_233 = %scan3A_86 to %scan3A_88 step %scan3A_89 iter_args(%scan3A_234 = %scan3A) -> (i32)  : i32 {
      %mul3A_235 = arith.constant 16 : i32
      %mul3A_236 = arith.muli %scan3A_233, %mul3A_235 : i32
      %add3A_237 = arith.constant 0 : i32
      %add3A_238 = arith.addi %add3A_237, %mul3A_236 : i32
      %add3A_239 = vector.broadcast %add3A_238 : i32 to vector<16xi32>
      %add3A_240 = arith.addi %add3A_239, %iota3A : vector<16xi32>
      %scan3A_241 = arith.constant 0 : i32
      %scan3A_242 = arith.constant 16 : i32
      %scan3A_243 = arith.addi %scan3A_241, %scan3A_242 : i32
      %scan3A_244 = arith.constant 1 : i32
      %scan3A_245:8 = scf.for %scan3A_265 = %scan3A_241 to %scan3A_243 step %scan3A_244 iter_args(%scan3A_266 = %broadcast_in_dim3A_13, %scan3A_267 = %broadcast_in_dim3A_13, %scan3A_268 = %broadcast_in_dim3A_13, %scan3A_269 = %broadcast_in_dim3A_13, %scan3A_270 = %broadcast_in_dim3A_13, %scan3A_271 = %broadcast_in_dim3A_13, %scan3A_272 = %broadcast_in_dim3A_13, %scan3A_273 = %broadcast_in_dim3A_13) -> (vector<16xf32>, vector<16xf32>, vector<16xf32>, vector<16xf32>, vector<16xf32>, vector<16xf32>, vector<16xf32>, vector<16xf32>)  : i32 {
        %mul3A_274 = arith.constant 8 : i32
        %mul3A_275 = arith.muli %scan3A_265, %mul3A_274 : i32
        %add3A_276 = arith.constant 0 : i32
        %add3A_277 = arith.addi %mul3A_275, %add3A_276 : i32
        %broadcast_in_dim3A_278 = vector.broadcast %add3A_277 : i32 to vector<16xi32>
        %add3A_279 = arith.addi %broadcast_in_dim3A_278, %iota3A : vector<16xi32>
        %and3A = arith.constant 127 : i32
        %and3A_280 = vector.broadcast %and3A : i32 to vector<16xi32>
        %and3A_281 = arith.andi %add3A_279, %and3A_280 : vector<16xi32>
        %gather3A = tpu.vector_load_idx %arg12[%add3A_240, %and3A_281] : memref<256x128xf32, #tpu.memory_space<vmem>>[vector<16xi32>, vector<16xi32>], vector<16xf32>,
        %gather3A_282 = tpu.vector_load_idx %arg13[%add3A_240, %and3A_281] : memref<256x128xf32, #tpu.memory_space<vmem>>[vector<16xi32>, vector<16xi32>], vector<16xf32>,
        %gather3A_283 = tpu.vector_load_idx %arg14[%add3A_240, %and3A_281] : memref<256x128xf32, #tpu.memory_space<vmem>>[vector<16xi32>, vector<16xi32>], vector<16xf32>,
        %mul3A_284 = arith.mulf %gather3A, %gather3A_282 : vector<16xf32>
        %add3A_285 = arith.addf %scan3A_266, %mul3A_284 : vector<16xf32>
        %mul3A_286 = arith.mulf %gather3A, %gather3A_283 : vector<16xf32>
        %add3A_287 = arith.addf %scan3A_270, %mul3A_286 : vector<16xf32>
        %mul3A_288 = arith.constant 8 : i32
        %mul3A_289 = arith.muli %scan3A_265, %mul3A_288 : i32
        %add3A_290 = arith.constant 1 : i32
        %add3A_291 = arith.addi %mul3A_289, %add3A_290 : i32
        %broadcast_in_dim3A_292 = vector.broadcast %add3A_291 : i32 to vector<16xi32>
        %add3A_293 = arith.addi %broadcast_in_dim3A_292, %iota3A : vector<16xi32>
        %and3A_294 = arith.constant 127 : i32
        %and3A_295 = vector.broadcast %and3A_294 : i32 to vector<16xi32>
        %and3A_296 = arith.andi %add3A_293, %and3A_295 : vector<16xi32>
        %gather3A_297 = tpu.vector_load_idx %arg12[%add3A_240, %and3A_296] : memref<256x128xf32, #tpu.memory_space<vmem>>[vector<16xi32>, vector<16xi32>], vector<16xf32>,
        %gather3A_298 = tpu.vector_load_idx %arg13[%add3A_240, %and3A_296] : memref<256x128xf32, #tpu.memory_space<vmem>>[vector<16xi32>, vector<16xi32>], vector<16xf32>,
        %gather3A_299 = tpu.vector_load_idx %arg14[%add3A_240, %and3A_296] : memref<256x128xf32, #tpu.memory_space<vmem>>[vector<16xi32>, vector<16xi32>], vector<16xf32>,
        %mul3A_300 = arith.mulf %gather3A_297, %gather3A_298 : vector<16xf32>
        %add3A_301 = arith.addf %scan3A_267, %mul3A_300 : vector<16xf32>
        %mul3A_302 = arith.mulf %gather3A_297, %gather3A_299 : vector<16xf32>
        %add3A_303 = arith.addf %scan3A_271, %mul3A_302 : vector<16xf32>
        %mul3A_304 = arith.constant 8 : i32
        %mul3A_305 = arith.muli %scan3A_265, %mul3A_304 : i32
        %add3A_306 = arith.constant 2 : i32
        %add3A_307 = arith.addi %mul3A_305, %add3A_306 : i32
        %broadcast_in_dim3A_308 = vector.broadcast %add3A_307 : i32 to vector<16xi32>
        %add3A_309 = arith.addi %broadcast_in_dim3A_308, %iota3A : vector<16xi32>
        %and3A_310 = arith.constant 127 : i32
        %and3A_311 = vector.broadcast %and3A_310 : i32 to vector<16xi32>
        %and3A_312 = arith.andi %add3A_309, %and3A_311 : vector<16xi32>
        %gather3A_313 = tpu.vector_load_idx %arg12[%add3A_240, %and3A_312] : memref<256x128xf32, #tpu.memory_space<vmem>>[vector<16xi32>, vector<16xi32>], vector<16xf32>,
        %gather3A_314 = tpu.vector_load_idx %arg13[%add3A_240, %and3A_312] : memref<256x128xf32, #tpu.memory_space<vmem>>[vector<16xi32>, vector<16xi32>], vector<16xf32>,
        %gather3A_315 = tpu.vector_load_idx %arg14[%add3A_240, %and3A_312] : memref<256x128xf32, #tpu.memory_space<vmem>>[vector<16xi32>, vector<16xi32>], vector<16xf32>,
        %mul3A_316 = arith.mulf %gather3A_313, %gather3A_314 : vector<16xf32>
        %add3A_317 = arith.addf %scan3A_268, %mul3A_316 : vector<16xf32>
        %mul3A_318 = arith.mulf %gather3A_313, %gather3A_315 : vector<16xf32>
        %add3A_319 = arith.addf %scan3A_272, %mul3A_318 : vector<16xf32>
        %mul3A_320 = arith.constant 8 : i32
        %mul3A_321 = arith.muli %scan3A_265, %mul3A_320 : i32
        %add3A_322 = arith.constant 3 : i32
        %add3A_323 = arith.addi %mul3A_321, %add3A_322 : i32
        %broadcast_in_dim3A_324 = vector.broadcast %add3A_323 : i32 to vector<16xi32>
        %add3A_325 = arith.addi %broadcast_in_dim3A_324, %iota3A : vector<16xi32>
        %and3A_326 = arith.constant 127 : i32
        %and3A_327 = vector.broadcast %and3A_326 : i32 to vector<16xi32>
        %and3A_328 = arith.andi %add3A_325, %and3A_327 : vector<16xi32>
        %gather3A_329 = tpu.vector_load_idx %arg12[%add3A_240, %and3A_328] : memref<256x128xf32, #tpu.memory_space<vmem>>[vector<16xi32>, vector<16xi32>], vector<16xf32>,
        %gather3A_330 = tpu.vector_load_idx %arg13[%add3A_240, %and3A_328] : memref<256x128xf32, #tpu.memory_space<vmem>>[vector<16xi32>, vector<16xi32>], vector<16xf32>,
        %gather3A_331 = tpu.vector_load_idx %arg14[%add3A_240, %and3A_328] : memref<256x128xf32, #tpu.memory_space<vmem>>[vector<16xi32>, vector<16xi32>], vector<16xf32>,
        %mul3A_332 = arith.mulf %gather3A_329, %gather3A_330 : vector<16xf32>
        %add3A_333 = arith.addf %scan3A_269, %mul3A_332 : vector<16xf32>
        %mul3A_334 = arith.mulf %gather3A_329, %gather3A_331 : vector<16xf32>
        %add3A_335 = arith.addf %scan3A_273, %mul3A_334 : vector<16xf32>
        %mul3A_336 = arith.constant 8 : i32
        %mul3A_337 = arith.muli %scan3A_265, %mul3A_336 : i32
        %add3A_338 = arith.constant 4 : i32
        %add3A_339 = arith.addi %mul3A_337, %add3A_338 : i32
        %broadcast_in_dim3A_340 = vector.broadcast %add3A_339 : i32 to vector<16xi32>
        %add3A_341 = arith.addi %broadcast_in_dim3A_340, %iota3A : vector<16xi32>
        %and3A_342 = arith.constant 127 : i32
        %and3A_343 = vector.broadcast %and3A_342 : i32 to vector<16xi32>
        %and3A_344 = arith.andi %add3A_341, %and3A_343 : vector<16xi32>
        %gather3A_345 = tpu.vector_load_idx %arg12[%add3A_240, %and3A_344] : memref<256x128xf32, #tpu.memory_space<vmem>>[vector<16xi32>, vector<16xi32>], vector<16xf32>,
        %gather3A_346 = tpu.vector_load_idx %arg13[%add3A_240, %and3A_344] : memref<256x128xf32, #tpu.memory_space<vmem>>[vector<16xi32>, vector<16xi32>], vector<16xf32>,
        %gather3A_347 = tpu.vector_load_idx %arg14[%add3A_240, %and3A_344] : memref<256x128xf32, #tpu.memory_space<vmem>>[vector<16xi32>, vector<16xi32>], vector<16xf32>,
        %mul3A_348 = arith.mulf %gather3A_345, %gather3A_346 : vector<16xf32>
        %add3A_349 = arith.addf %add3A_285, %mul3A_348 : vector<16xf32>
        %mul3A_350 = arith.mulf %gather3A_345, %gather3A_347 : vector<16xf32>
        %add3A_351 = arith.addf %add3A_287, %mul3A_350 : vector<16xf32>
        %mul3A_352 = arith.constant 8 : i32
        %mul3A_353 = arith.muli %scan3A_265, %mul3A_352 : i32
        %add3A_354 = arith.constant 5 : i32
        %add3A_355 = arith.addi %mul3A_353, %add3A_354 : i32
        %broadcast_in_dim3A_356 = vector.broadcast %add3A_355 : i32 to vector<16xi32>
        %add3A_357 = arith.addi %broadcast_in_dim3A_356, %iota3A : vector<16xi32>
        %and3A_358 = arith.constant 127 : i32
        %and3A_359 = vector.broadcast %and3A_358 : i32 to vector<16xi32>
        %and3A_360 = arith.andi %add3A_357, %and3A_359 : vector<16xi32>
        %gather3A_361 = tpu.vector_load_idx %arg12[%add3A_240, %and3A_360] : memref<256x128xf32, #tpu.memory_space<vmem>>[vector<16xi32>, vector<16xi32>], vector<16xf32>,
        %gather3A_362 = tpu.vector_load_idx %arg13[%add3A_240, %and3A_360] : memref<256x128xf32, #tpu.memory_space<vmem>>[vector<16xi32>, vector<16xi32>], vector<16xf32>,
        %gather3A_363 = tpu.vector_load_idx %arg14[%add3A_240, %and3A_360] : memref<256x128xf32, #tpu.memory_space<vmem>>[vector<16xi32>, vector<16xi32>], vector<16xf32>,
        %mul3A_364 = arith.mulf %gather3A_361, %gather3A_362 : vector<16xf32>
        %add3A_365 = arith.addf %add3A_301, %mul3A_364 : vector<16xf32>
        %mul3A_366 = arith.mulf %gather3A_361, %gather3A_363 : vector<16xf32>
        %add3A_367 = arith.addf %add3A_303, %mul3A_366 : vector<16xf32>
        %mul3A_368 = arith.constant 8 : i32
        %mul3A_369 = arith.muli %scan3A_265, %mul3A_368 : i32
        %add3A_370 = arith.constant 6 : i32
        %add3A_371 = arith.addi %mul3A_369, %add3A_370 : i32
        %broadcast_in_dim3A_372 = vector.broadcast %add3A_371 : i32 to vector<16xi32>
        %add3A_373 = arith.addi %broadcast_in_dim3A_372, %iota3A : vector<16xi32>
        %and3A_374 = arith.constant 127 : i32
        %and3A_375 = vector.broadcast %and3A_374 : i32 to vector<16xi32>
        %and3A_376 = arith.andi %add3A_373, %and3A_375 : vector<16xi32>
        %gather3A_377 = tpu.vector_load_idx %arg12[%add3A_240, %and3A_376] : memref<256x128xf32, #tpu.memory_space<vmem>>[vector<16xi32>, vector<16xi32>], vector<16xf32>,
        %gather3A_378 = tpu.vector_load_idx %arg13[%add3A_240, %and3A_376] : memref<256x128xf32, #tpu.memory_space<vmem>>[vector<16xi32>, vector<16xi32>], vector<16xf32>,
        %gather3A_379 = tpu.vector_load_idx %arg14[%add3A_240, %and3A_376] : memref<256x128xf32, #tpu.memory_space<vmem>>[vector<16xi32>, vector<16xi32>], vector<16xf32>,
        %mul3A_380 = arith.mulf %gather3A_377, %gather3A_378 : vector<16xf32>
        %add3A_381 = arith.addf %add3A_317, %mul3A_380 : vector<16xf32>
        %mul3A_382 = arith.mulf %gather3A_377, %gather3A_379 : vector<16xf32>
        %add3A_383 = arith.addf %add3A_319, %mul3A_382 : vector<16xf32>
        %mul3A_384 = arith.constant 8 : i32
        %mul3A_385 = arith.muli %scan3A_265, %mul3A_384 : i32
        %add3A_386 = arith.constant 7 : i32
        %add3A_387 = arith.addi %mul3A_385, %add3A_386 : i32
        %broadcast_in_dim3A_388 = vector.broadcast %add3A_387 : i32 to vector<16xi32>
        %add3A_389 = arith.addi %broadcast_in_dim3A_388, %iota3A : vector<16xi32>
        %and3A_390 = arith.constant 127 : i32
        %and3A_391 = vector.broadcast %and3A_390 : i32 to vector<16xi32>
        %and3A_392 = arith.andi %add3A_389, %and3A_391 : vector<16xi32>
        %gather3A_393 = tpu.vector_load_idx %arg12[%add3A_240, %and3A_392] : memref<256x128xf32, #tpu.memory_space<vmem>>[vector<16xi32>, vector<16xi32>], vector<16xf32>,
        %gather3A_394 = tpu.vector_load_idx %arg13[%add3A_240, %and3A_392] : memref<256x128xf32, #tpu.memory_space<vmem>>[vector<16xi32>, vector<16xi32>], vector<16xf32>,
        %gather3A_395 = tpu.vector_load_idx %arg14[%add3A_240, %and3A_392] : memref<256x128xf32, #tpu.memory_space<vmem>>[vector<16xi32>, vector<16xi32>], vector<16xf32>,
        %mul3A_396 = arith.mulf %gather3A_393, %gather3A_394 : vector<16xf32>
        %add3A_397 = arith.addf %add3A_333, %mul3A_396 : vector<16xf32>
        %mul3A_398 = arith.mulf %gather3A_393, %gather3A_395 : vector<16xf32>
        %add3A_399 = arith.addf %add3A_335, %mul3A_398 : vector<16xf32>
        scf.yield %add3A_349, %add3A_365, %add3A_381, %add3A_397, %add3A_351, %add3A_367, %add3A_383, %add3A_399 : vector<16xf32>, vector<16xf32>, vector<16xf32>, vector<16xf32>, vector<16xf32>, vector<16xf32>, vector<16xf32>, vector<16xf32>
      }
      %scan3A_246 = arith.constant 16 : i32
      %add3A_247 = arith.addf %scan3A_245#0, %scan3A_245#1 : vector<16xf32>
      %add3A_248 = arith.addf %scan3A_245#2, %scan3A_245#3 : vector<16xf32>
      %add3A_249 = arith.addf %add3A_247, %add3A_248 : vector<16xf32>
      %add3A_250 = arith.addf %scan3A_245#4, %scan3A_245#5 : vector<16xf32>
      %add3A_251 = arith.addf %scan3A_245#6, %scan3A_245#7 : vector<16xf32>
      %add3A_252 = arith.addf %add3A_250, %add3A_251 : vector<16xf32>
      %mul3A_253 = arith.constant 16 : i32
      %mul3A_254 = arith.muli %scan3A_233, %mul3A_253 : i32
      %add3A_255 = arith.constant 0 : i32
      %add3A_256 = arith.addi %add3A_255, %mul3A_254 : i32
      %swap3A = arith.index_cast %add3A_256 : i32 to index
      %swap3A_257 = tpu.vector_load %arg15[%swap3A] {strides = array<i32>} : memref<512xf32, #tpu.memory_space<vmem>>, vector<16xf32>,
      tpu.vector_store %arg15[%swap3A], %add3A_249 {strides = array<i32>} : memref<512xf32, #tpu.memory_space<vmem>>, vector<16xf32>,
      %mul3A_258 = arith.constant 16 : i32
      %mul3A_259 = arith.muli %scan3A_233, %mul3A_258 : i32
      %add3A_260 = arith.constant 0 : i32
      %add3A_261 = arith.addi %add3A_260, %mul3A_259 : i32
      %swap3A_262 = arith.index_cast %add3A_261 : i32 to index
      %swap3A_263 = tpu.vector_load %arg16[%swap3A_262] {strides = array<i32>} : memref<512xf32, #tpu.memory_space<vmem>>, vector<16xf32>,
      tpu.vector_store %arg16[%swap3A_262], %add3A_252 {strides = array<i32>} : memref<512xf32, #tpu.memory_space<vmem>>, vector<16xf32>,
      %scan3A_264 = arith.constant 0 : i32
      scf.yield %scan3A_264 : i32
    }
    %scan3A_91 = arith.constant 8 : i32
    %dma_start3A_92 = arith.constant 0 : i32
    %dma_start3A_93 = arith.constant 0 : i32
    %dma_start3A_94 = tpu.memref_slice %arg12[%dma_start3A_92, %dma_start3A_93] : memref<256x128xf32, #tpu.memory_space<vmem>> -> memref<128x128xf32, #tpu.memory_space<vmem>>
    %dma_start3A_95 = arith.constant 256 : i32
    %dma_start3A_96 = tpu.memref_slice %arg9[%dma_start3A_95] : memref<512xi32, #tpu.memory_space<vmem>> -> memref<128xi32, #tpu.memory_space<vmem>>
    %dma_start3A_97 = arith.constant 0 : i32
    %dma_start3A_98 = arith.constant 0 : i32
    %dma_start3A_99 = tpu.memref_slice %arg5[%dma_start3A_97, %dma_start3A_98] : memref<100000x128xf32, #tpu.memory_space<hbm>> -> memref<100000x128xf32, #tpu.memory_space<hbm>>
    tpu.enqueue_indirect_dma source(%dma_start3A_99 : memref<100000x128xf32, #tpu.memory_space<hbm>>) target(%dma_start3A_94 : memref<128x128xf32, #tpu.memory_space<vmem>>) offsets(%dma_start3A_96 : memref<128xi32, #tpu.memory_space<vmem>>) semaphore(%arg17 : memref<!tpu.dma_semaphore, #tpu.memory_space<semaphore_mem>>)
    %dma_start3A_100 = arith.constant 0 : i32
    %dma_start3A_101 = arith.constant 0 : i32
    %dma_start3A_102 = tpu.memref_slice %arg13[%dma_start3A_100, %dma_start3A_101] : memref<256x128xf32, #tpu.memory_space<vmem>> -> memref<128x128xf32, #tpu.memory_space<vmem>>
    %dma_start3A_103 = arith.constant 256 : i32
    %dma_start3A_104 = tpu.memref_slice %arg10[%dma_start3A_103] : memref<512xi32, #tpu.memory_space<vmem>> -> memref<128xi32, #tpu.memory_space<vmem>>
    %dma_start3A_105 = arith.constant 0 : i32
    %dma_start3A_106 = arith.constant 0 : i32
    %dma_start3A_107 = tpu.memref_slice %arg6[%dma_start3A_105, %dma_start3A_106] : memref<100000x128xf32, #tpu.memory_space<hbm>> -> memref<100000x128xf32, #tpu.memory_space<hbm>>
    tpu.enqueue_indirect_dma source(%dma_start3A_107 : memref<100000x128xf32, #tpu.memory_space<hbm>>) target(%dma_start3A_102 : memref<128x128xf32, #tpu.memory_space<vmem>>) offsets(%dma_start3A_104 : memref<128xi32, #tpu.memory_space<vmem>>) semaphore(%arg17 : memref<!tpu.dma_semaphore, #tpu.memory_space<semaphore_mem>>)
    %dma_start3A_108 = arith.constant 0 : i32
    %dma_start3A_109 = arith.constant 0 : i32
    %dma_start3A_110 = tpu.memref_slice %arg14[%dma_start3A_108, %dma_start3A_109] : memref<256x128xf32, #tpu.memory_space<vmem>> -> memref<128x128xf32, #tpu.memory_space<vmem>>
    %dma_start3A_111 = arith.constant 256 : i32
    %dma_start3A_112 = tpu.memref_slice %arg11[%dma_start3A_111] : memref<512xi32, #tpu.memory_space<vmem>> -> memref<128xi32, #tpu.memory_space<vmem>>
    %dma_start3A_113 = arith.constant 0 : i32
    %dma_start3A_114 = arith.constant 0 : i32
    %dma_start3A_115 = tpu.memref_slice %arg6[%dma_start3A_113, %dma_start3A_114] : memref<100000x128xf32, #tpu.memory_space<hbm>> -> memref<100000x128xf32, #tpu.memory_space<hbm>>
    tpu.enqueue_indirect_dma source(%dma_start3A_115 : memref<100000x128xf32, #tpu.memory_space<hbm>>) target(%dma_start3A_110 : memref<128x128xf32, #tpu.memory_space<vmem>>) offsets(%dma_start3A_112 : memref<128xi32, #tpu.memory_space<vmem>>) semaphore(%arg17 : memref<!tpu.dma_semaphore, #tpu.memory_space<semaphore_mem>>)
    %dma_wait3A_116 = arith.constant 128 : i32
    %dma_wait3A_117 = arith.constant 0 : i32
    %dma_wait3A_118 = tpu.memref_slice %arg12[%dma_wait3A_116, %dma_wait3A_117] : memref<256x128xf32, #tpu.memory_space<vmem>> -> memref<128x128xf32, #tpu.memory_space<vmem>>
    %dma_wait3A_119 = arith.constant 128 : i32
    %dma_wait3A_120 = tpu.memref_slice %arg9[%dma_wait3A_119] : memref<512xi32, #tpu.memory_space<vmem>> -> memref<128xi32, #tpu.memory_space<vmem>>
    %dma_wait3A_121 = arith.constant 0 : i32
    %dma_wait3A_122 = arith.constant 0 : i32
    %dma_wait3A_123 = tpu.memref_slice %arg5[%dma_wait3A_121, %dma_wait3A_122] : memref<100000x128xf32, #tpu.memory_space<hbm>> -> memref<100000x128xf32, #tpu.memory_space<hbm>>
    tpu.wait_indirect_dma semaphore(%arg18 : memref<!tpu.dma_semaphore, #tpu.memory_space<semaphore_mem>>) src(%dma_wait3A_123 : memref<100000x128xf32, #tpu.memory_space<hbm>>) dst(%dma_wait3A_118 : memref<128x128xf32, #tpu.memory_space<vmem>>)
    %dma_wait3A_124 = arith.constant 128 : i32
    %dma_wait3A_125 = arith.constant 0 : i32
    %dma_wait3A_126 = tpu.memref_slice %arg13[%dma_wait3A_124, %dma_wait3A_125] : memref<256x128xf32, #tpu.memory_space<vmem>> -> memref<128x128xf32, #tpu.memory_space<vmem>>
    %dma_wait3A_127 = arith.constant 128 : i32
    %dma_wait3A_128 = tpu.memref_slice %arg10[%dma_wait3A_127] : memref<512xi32, #tpu.memory_space<vmem>> -> memref<128xi32, #tpu.memory_space<vmem>>
    %dma_wait3A_129 = arith.constant 0 : i32
    %dma_wait3A_130 = arith.constant 0 : i32
    %dma_wait3A_131 = tpu.memref_slice %arg6[%dma_wait3A_129, %dma_wait3A_130] : memref<100000x128xf32, #tpu.memory_space<hbm>> -> memref<100000x128xf32, #tpu.memory_space<hbm>>
    tpu.wait_indirect_dma semaphore(%arg18 : memref<!tpu.dma_semaphore, #tpu.memory_space<semaphore_mem>>) src(%dma_wait3A_131 : memref<100000x128xf32, #tpu.memory_space<hbm>>) dst(%dma_wait3A_126 : memref<128x128xf32, #tpu.memory_space<vmem>>)
    %dma_wait3A_132 = arith.constant 128 : i32
    %dma_wait3A_133 = arith.constant 0 : i32
    %dma_wait3A_134 = tpu.memref_slice %arg14[%dma_wait3A_132, %dma_wait3A_133] : memref<256x128xf32, #tpu.memory_space<vmem>> -> memref<128x128xf32, #tpu.memory_space<vmem>>
    %dma_wait3A_135 = arith.constant 128 : i32
    %dma_wait3A_136 = tpu.memref_slice %arg11[%dma_wait3A_135] : memref<512xi32, #tpu.memory_space<vmem>> -> memref<128xi32, #tpu.memory_space<vmem>>
    %dma_wait3A_137 = arith.constant 0 : i32
    %dma_wait3A_138 = arith.constant 0 : i32
    %dma_wait3A_139 = tpu.memref_slice %arg6[%dma_wait3A_137, %dma_wait3A_138] : memref<100000x128xf32, #tpu.memory_space<hbm>> -> memref<100000x128xf32, #tpu.memory_space<hbm>>
    tpu.wait_indirect_dma semaphore(%arg18 : memref<!tpu.dma_semaphore, #tpu.memory_space<semaphore_mem>>) src(%dma_wait3A_139 : memref<100000x128xf32, #tpu.memory_space<hbm>>) dst(%dma_wait3A_134 : memref<128x128xf32, #tpu.memory_space<vmem>>)
    %scan3A_140 = arith.constant 0 : i32
    %scan3A_141 = arith.constant 0 : i32
    %scan3A_142 = arith.constant 8 : i32
    %scan3A_143 = arith.addi %scan3A_141, %scan3A_142 : i32
    %scan3A_144 = arith.constant 1 : i32
    %scan3A_145 = scf.for %scan3A_233 = %scan3A_141 to %scan3A_143 step %scan3A_144 iter_args(%scan3A_234 = %scan3A_140) -> (i32)  : i32 {
      %mul3A_235 = arith.constant 16 : i32
      %mul3A_236 = arith.muli %scan3A_233, %mul3A_235 : i32
      %add3A_237 = arith.constant 128 : i32
      %add3A_238 = arith.addi %add3A_237, %mul3A_236 : i32
      %add3A_239 = vector.broadcast %add3A_238 : i32 to vector<16xi32>
      %add3A_240 = arith.addi %add3A_239, %iota3A : vector<16xi32>
      %scan3A_241 = arith.constant 0 : i32
      %scan3A_242 = arith.constant 16 : i32
      %scan3A_243 = arith.addi %scan3A_241, %scan3A_242 : i32
      %scan3A_244 = arith.constant 1 : i32
      %scan3A_245:8 = scf.for %scan3A_265 = %scan3A_241 to %scan3A_243 step %scan3A_244 iter_args(%scan3A_266 = %broadcast_in_dim3A_13, %scan3A_267 = %broadcast_in_dim3A_13, %scan3A_268 = %broadcast_in_dim3A_13, %scan3A_269 = %broadcast_in_dim3A_13, %scan3A_270 = %broadcast_in_dim3A_13, %scan3A_271 = %broadcast_in_dim3A_13, %scan3A_272 = %broadcast_in_dim3A_13, %scan3A_273 = %broadcast_in_dim3A_13) -> (vector<16xf32>, vector<16xf32>, vector<16xf32>, vector<16xf32>, vector<16xf32>, vector<16xf32>, vector<16xf32>, vector<16xf32>)  : i32 {
        %mul3A_274 = arith.constant 8 : i32
        %mul3A_275 = arith.muli %scan3A_265, %mul3A_274 : i32
        %add3A_276 = arith.constant 0 : i32
        %add3A_277 = arith.addi %mul3A_275, %add3A_276 : i32
        %broadcast_in_dim3A_278 = vector.broadcast %add3A_277 : i32 to vector<16xi32>
        %add3A_279 = arith.addi %broadcast_in_dim3A_278, %iota3A : vector<16xi32>
        %and3A = arith.constant 127 : i32
        %and3A_280 = vector.broadcast %and3A : i32 to vector<16xi32>
        %and3A_281 = arith.andi %add3A_279, %and3A_280 : vector<16xi32>
        %gather3A = tpu.vector_load_idx %arg12[%add3A_240, %and3A_281] : memref<256x128xf32, #tpu.memory_space<vmem>>[vector<16xi32>, vector<16xi32>], vector<16xf32>,
        %gather3A_282 = tpu.vector_load_idx %arg13[%add3A_240, %and3A_281] : memref<256x128xf32, #tpu.memory_space<vmem>>[vector<16xi32>, vector<16xi32>], vector<16xf32>,
        %gather3A_283 = tpu.vector_load_idx %arg14[%add3A_240, %and3A_281] : memref<256x128xf32, #tpu.memory_space<vmem>>[vector<16xi32>, vector<16xi32>], vector<16xf32>,
        %mul3A_284 = arith.mulf %gather3A, %gather3A_282 : vector<16xf32>
        %add3A_285 = arith.addf %scan3A_266, %mul3A_284 : vector<16xf32>
        %mul3A_286 = arith.mulf %gather3A, %gather3A_283 : vector<16xf32>
        %add3A_287 = arith.addf %scan3A_270, %mul3A_286 : vector<16xf32>
        %mul3A_288 = arith.constant 8 : i32
        %mul3A_289 = arith.muli %scan3A_265, %mul3A_288 : i32
        %add3A_290 = arith.constant 1 : i32
        %add3A_291 = arith.addi %mul3A_289, %add3A_290 : i32
        %broadcast_in_dim3A_292 = vector.broadcast %add3A_291 : i32 to vector<16xi32>
        %add3A_293 = arith.addi %broadcast_in_dim3A_292, %iota3A : vector<16xi32>
        %and3A_294 = arith.constant 127 : i32
        %and3A_295 = vector.broadcast %and3A_294 : i32 to vector<16xi32>
        %and3A_296 = arith.andi %add3A_293, %and3A_295 : vector<16xi32>
        %gather3A_297 = tpu.vector_load_idx %arg12[%add3A_240, %and3A_296] : memref<256x128xf32, #tpu.memory_space<vmem>>[vector<16xi32>, vector<16xi32>], vector<16xf32>,
        %gather3A_298 = tpu.vector_load_idx %arg13[%add3A_240, %and3A_296] : memref<256x128xf32, #tpu.memory_space<vmem>>[vector<16xi32>, vector<16xi32>], vector<16xf32>,
        %gather3A_299 = tpu.vector_load_idx %arg14[%add3A_240, %and3A_296] : memref<256x128xf32, #tpu.memory_space<vmem>>[vector<16xi32>, vector<16xi32>], vector<16xf32>,
        %mul3A_300 = arith.mulf %gather3A_297, %gather3A_298 : vector<16xf32>
        %add3A_301 = arith.addf %scan3A_267, %mul3A_300 : vector<16xf32>
        %mul3A_302 = arith.mulf %gather3A_297, %gather3A_299 : vector<16xf32>
        %add3A_303 = arith.addf %scan3A_271, %mul3A_302 : vector<16xf32>
        %mul3A_304 = arith.constant 8 : i32
        %mul3A_305 = arith.muli %scan3A_265, %mul3A_304 : i32
        %add3A_306 = arith.constant 2 : i32
        %add3A_307 = arith.addi %mul3A_305, %add3A_306 : i32
        %broadcast_in_dim3A_308 = vector.broadcast %add3A_307 : i32 to vector<16xi32>
        %add3A_309 = arith.addi %broadcast_in_dim3A_308, %iota3A : vector<16xi32>
        %and3A_310 = arith.constant 127 : i32
        %and3A_311 = vector.broadcast %and3A_310 : i32 to vector<16xi32>
        %and3A_312 = arith.andi %add3A_309, %and3A_311 : vector<16xi32>
        %gather3A_313 = tpu.vector_load_idx %arg12[%add3A_240, %and3A_312] : memref<256x128xf32, #tpu.memory_space<vmem>>[vector<16xi32>, vector<16xi32>], vector<16xf32>,
        %gather3A_314 = tpu.vector_load_idx %arg13[%add3A_240, %and3A_312] : memref<256x128xf32, #tpu.memory_space<vmem>>[vector<16xi32>, vector<16xi32>], vector<16xf32>,
        %gather3A_315 = tpu.vector_load_idx %arg14[%add3A_240, %and3A_312] : memref<256x128xf32, #tpu.memory_space<vmem>>[vector<16xi32>, vector<16xi32>], vector<16xf32>,
        %mul3A_316 = arith.mulf %gather3A_313, %gather3A_314 : vector<16xf32>
        %add3A_317 = arith.addf %scan3A_268, %mul3A_316 : vector<16xf32>
        %mul3A_318 = arith.mulf %gather3A_313, %gather3A_315 : vector<16xf32>
        %add3A_319 = arith.addf %scan3A_272, %mul3A_318 : vector<16xf32>
        %mul3A_320 = arith.constant 8 : i32
        %mul3A_321 = arith.muli %scan3A_265, %mul3A_320 : i32
        %add3A_322 = arith.constant 3 : i32
        %add3A_323 = arith.addi %mul3A_321, %add3A_322 : i32
        %broadcast_in_dim3A_324 = vector.broadcast %add3A_323 : i32 to vector<16xi32>
        %add3A_325 = arith.addi %broadcast_in_dim3A_324, %iota3A : vector<16xi32>
        %and3A_326 = arith.constant 127 : i32
        %and3A_327 = vector.broadcast %and3A_326 : i32 to vector<16xi32>
        %and3A_328 = arith.andi %add3A_325, %and3A_327 : vector<16xi32>
        %gather3A_329 = tpu.vector_load_idx %arg12[%add3A_240, %and3A_328] : memref<256x128xf32, #tpu.memory_space<vmem>>[vector<16xi32>, vector<16xi32>], vector<16xf32>,
        %gather3A_330 = tpu.vector_load_idx %arg13[%add3A_240, %and3A_328] : memref<256x128xf32, #tpu.memory_space<vmem>>[vector<16xi32>, vector<16xi32>], vector<16xf32>,
        %gather3A_331 = tpu.vector_load_idx %arg14[%add3A_240, %and3A_328] : memref<256x128xf32, #tpu.memory_space<vmem>>[vector<16xi32>, vector<16xi32>], vector<16xf32>,
        %mul3A_332 = arith.mulf %gather3A_329, %gather3A_330 : vector<16xf32>
        %add3A_333 = arith.addf %scan3A_269, %mul3A_332 : vector<16xf32>
        %mul3A_334 = arith.mulf %gather3A_329, %gather3A_331 : vector<16xf32>
        %add3A_335 = arith.addf %scan3A_273, %mul3A_334 : vector<16xf32>
        %mul3A_336 = arith.constant 8 : i32
        %mul3A_337 = arith.muli %scan3A_265, %mul3A_336 : i32
        %add3A_338 = arith.constant 4 : i32
        %add3A_339 = arith.addi %mul3A_337, %add3A_338 : i32
        %broadcast_in_dim3A_340 = vector.broadcast %add3A_339 : i32 to vector<16xi32>
        %add3A_341 = arith.addi %broadcast_in_dim3A_340, %iota3A : vector<16xi32>
        %and3A_342 = arith.constant 127 : i32
        %and3A_343 = vector.broadcast %and3A_342 : i32 to vector<16xi32>
        %and3A_344 = arith.andi %add3A_341, %and3A_343 : vector<16xi32>
        %gather3A_345 = tpu.vector_load_idx %arg12[%add3A_240, %and3A_344] : memref<256x128xf32, #tpu.memory_space<vmem>>[vector<16xi32>, vector<16xi32>], vector<16xf32>,
        %gather3A_346 = tpu.vector_load_idx %arg13[%add3A_240, %and3A_344] : memref<256x128xf32, #tpu.memory_space<vmem>>[vector<16xi32>, vector<16xi32>], vector<16xf32>,
        %gather3A_347 = tpu.vector_load_idx %arg14[%add3A_240, %and3A_344] : memref<256x128xf32, #tpu.memory_space<vmem>>[vector<16xi32>, vector<16xi32>], vector<16xf32>,
        %mul3A_348 = arith.mulf %gather3A_345, %gather3A_346 : vector<16xf32>
        %add3A_349 = arith.addf %add3A_285, %mul3A_348 : vector<16xf32>
        %mul3A_350 = arith.mulf %gather3A_345, %gather3A_347 : vector<16xf32>
        %add3A_351 = arith.addf %add3A_287, %mul3A_350 : vector<16xf32>
        %mul3A_352 = arith.constant 8 : i32
        %mul3A_353 = arith.muli %scan3A_265, %mul3A_352 : i32
        %add3A_354 = arith.constant 5 : i32
        %add3A_355 = arith.addi %mul3A_353, %add3A_354 : i32
        %broadcast_in_dim3A_356 = vector.broadcast %add3A_355 : i32 to vector<16xi32>
        %add3A_357 = arith.addi %broadcast_in_dim3A_356, %iota3A : vector<16xi32>
        %and3A_358 = arith.constant 127 : i32
        %and3A_359 = vector.broadcast %and3A_358 : i32 to vector<16xi32>
        %and3A_360 = arith.andi %add3A_357, %and3A_359 : vector<16xi32>
        %gather3A_361 = tpu.vector_load_idx %arg12[%add3A_240, %and3A_360] : memref<256x128xf32, #tpu.memory_space<vmem>>[vector<16xi32>, vector<16xi32>], vector<16xf32>,
        %gather3A_362 = tpu.vector_load_idx %arg13[%add3A_240, %and3A_360] : memref<256x128xf32, #tpu.memory_space<vmem>>[vector<16xi32>, vector<16xi32>], vector<16xf32>,
        %gather3A_363 = tpu.vector_load_idx %arg14[%add3A_240, %and3A_360] : memref<256x128xf32, #tpu.memory_space<vmem>>[vector<16xi32>, vector<16xi32>], vector<16xf32>,
        %mul3A_364 = arith.mulf %gather3A_361, %gather3A_362 : vector<16xf32>
        %add3A_365 = arith.addf %add3A_301, %mul3A_364 : vector<16xf32>
        %mul3A_366 = arith.mulf %gather3A_361, %gather3A_363 : vector<16xf32>
        %add3A_367 = arith.addf %add3A_303, %mul3A_366 : vector<16xf32>
        %mul3A_368 = arith.constant 8 : i32
        %mul3A_369 = arith.muli %scan3A_265, %mul3A_368 : i32
        %add3A_370 = arith.constant 6 : i32
        %add3A_371 = arith.addi %mul3A_369, %add3A_370 : i32
        %broadcast_in_dim3A_372 = vector.broadcast %add3A_371 : i32 to vector<16xi32>
        %add3A_373 = arith.addi %broadcast_in_dim3A_372, %iota3A : vector<16xi32>
        %and3A_374 = arith.constant 127 : i32
        %and3A_375 = vector.broadcast %and3A_374 : i32 to vector<16xi32>
        %and3A_376 = arith.andi %add3A_373, %and3A_375 : vector<16xi32>
        %gather3A_377 = tpu.vector_load_idx %arg12[%add3A_240, %and3A_376] : memref<256x128xf32, #tpu.memory_space<vmem>>[vector<16xi32>, vector<16xi32>], vector<16xf32>,
        %gather3A_378 = tpu.vector_load_idx %arg13[%add3A_240, %and3A_376] : memref<256x128xf32, #tpu.memory_space<vmem>>[vector<16xi32>, vector<16xi32>], vector<16xf32>,
        %gather3A_379 = tpu.vector_load_idx %arg14[%add3A_240, %and3A_376] : memref<256x128xf32, #tpu.memory_space<vmem>>[vector<16xi32>, vector<16xi32>], vector<16xf32>,
        %mul3A_380 = arith.mulf %gather3A_377, %gather3A_378 : vector<16xf32>
        %add3A_381 = arith.addf %add3A_317, %mul3A_380 : vector<16xf32>
        %mul3A_382 = arith.mulf %gather3A_377, %gather3A_379 : vector<16xf32>
        %add3A_383 = arith.addf %add3A_319, %mul3A_382 : vector<16xf32>
        %mul3A_384 = arith.constant 8 : i32
        %mul3A_385 = arith.muli %scan3A_265, %mul3A_384 : i32
        %add3A_386 = arith.constant 7 : i32
        %add3A_387 = arith.addi %mul3A_385, %add3A_386 : i32
        %broadcast_in_dim3A_388 = vector.broadcast %add3A_387 : i32 to vector<16xi32>
        %add3A_389 = arith.addi %broadcast_in_dim3A_388, %iota3A : vector<16xi32>
        %and3A_390 = arith.constant 127 : i32
        %and3A_391 = vector.broadcast %and3A_390 : i32 to vector<16xi32>
        %and3A_392 = arith.andi %add3A_389, %and3A_391 : vector<16xi32>
        %gather3A_393 = tpu.vector_load_idx %arg12[%add3A_240, %and3A_392] : memref<256x128xf32, #tpu.memory_space<vmem>>[vector<16xi32>, vector<16xi32>], vector<16xf32>,
        %gather3A_394 = tpu.vector_load_idx %arg13[%add3A_240, %and3A_392] : memref<256x128xf32, #tpu.memory_space<vmem>>[vector<16xi32>, vector<16xi32>], vector<16xf32>,
        %gather3A_395 = tpu.vector_load_idx %arg14[%add3A_240, %and3A_392] : memref<256x128xf32, #tpu.memory_space<vmem>>[vector<16xi32>, vector<16xi32>], vector<16xf32>,
        %mul3A_396 = arith.mulf %gather3A_393, %gather3A_394 : vector<16xf32>
        %add3A_397 = arith.addf %add3A_333, %mul3A_396 : vector<16xf32>
        %mul3A_398 = arith.mulf %gather3A_393, %gather3A_395 : vector<16xf32>
        %add3A_399 = arith.addf %add3A_335, %mul3A_398 : vector<16xf32>
        scf.yield %add3A_349, %add3A_365, %add3A_381, %add3A_397, %add3A_351, %add3A_367, %add3A_383, %add3A_399 : vector<16xf32>, vector<16xf32>, vector<16xf32>, vector<16xf32>, vector<16xf32>, vector<16xf32>, vector<16xf32>, vector<16xf32>
      }
      %scan3A_246 = arith.constant 16 : i32
      %add3A_247 = arith.addf %scan3A_245#0, %scan3A_245#1 : vector<16xf32>
      %add3A_248 = arith.addf %scan3A_245#2, %scan3A_245#3 : vector<16xf32>
      %add3A_249 = arith.addf %add3A_247, %add3A_248 : vector<16xf32>
      %add3A_250 = arith.addf %scan3A_245#4, %scan3A_245#5 : vector<16xf32>
      %add3A_251 = arith.addf %scan3A_245#6, %scan3A_245#7 : vector<16xf32>
      %add3A_252 = arith.addf %add3A_250, %add3A_251 : vector<16xf32>
      %mul3A_253 = arith.constant 16 : i32
      %mul3A_254 = arith.muli %scan3A_233, %mul3A_253 : i32
      %add3A_255 = arith.constant 128 : i32
      %add3A_256 = arith.addi %add3A_255, %mul3A_254 : i32
      %swap3A = arith.index_cast %add3A_256 : i32 to index
      %swap3A_257 = tpu.vector_load %arg15[%swap3A] {strides = array<i32>} : memref<512xf32, #tpu.memory_space<vmem>>, vector<16xf32>,
      tpu.vector_store %arg15[%swap3A], %add3A_249 {strides = array<i32>} : memref<512xf32, #tpu.memory_space<vmem>>, vector<16xf32>,
      %mul3A_258 = arith.constant 16 : i32
      %mul3A_259 = arith.muli %scan3A_233, %mul3A_258 : i32
      %add3A_260 = arith.constant 128 : i32
      %add3A_261 = arith.addi %add3A_260, %mul3A_259 : i32
      %swap3A_262 = arith.index_cast %add3A_261 : i32 to index
      %swap3A_263 = tpu.vector_load %arg16[%swap3A_262] {strides = array<i32>} : memref<512xf32, #tpu.memory_space<vmem>>, vector<16xf32>,
      tpu.vector_store %arg16[%swap3A_262], %add3A_252 {strides = array<i32>} : memref<512xf32, #tpu.memory_space<vmem>>, vector<16xf32>,
      %scan3A_264 = arith.constant 0 : i32
      scf.yield %scan3A_264 : i32
    }
    %scan3A_146 = arith.constant 8 : i32
    %dma_start3A_147 = arith.constant 128 : i32
    %dma_start3A_148 = arith.constant 0 : i32
    %dma_start3A_149 = tpu.memref_slice %arg12[%dma_start3A_147, %dma_start3A_148] : memref<256x128xf32, #tpu.memory_space<vmem>> -> memref<128x128xf32, #tpu.memory_space<vmem>>
    %dma_start3A_150 = arith.constant 384 : i32
    %dma_start3A_151 = tpu.memref_slice %arg9[%dma_start3A_150] : memref<512xi32, #tpu.memory_space<vmem>> -> memref<128xi32, #tpu.memory_space<vmem>>
    %dma_start3A_152 = arith.constant 0 : i32
    %dma_start3A_153 = arith.constant 0 : i32
    %dma_start3A_154 = tpu.memref_slice %arg5[%dma_start3A_152, %dma_start3A_153] : memref<100000x128xf32, #tpu.memory_space<hbm>> -> memref<100000x128xf32, #tpu.memory_space<hbm>>
    tpu.enqueue_indirect_dma source(%dma_start3A_154 : memref<100000x128xf32, #tpu.memory_space<hbm>>) target(%dma_start3A_149 : memref<128x128xf32, #tpu.memory_space<vmem>>) offsets(%dma_start3A_151 : memref<128xi32, #tpu.memory_space<vmem>>) semaphore(%arg18 : memref<!tpu.dma_semaphore, #tpu.memory_space<semaphore_mem>>)
    %dma_start3A_155 = arith.constant 128 : i32
    %dma_start3A_156 = arith.constant 0 : i32
    %dma_start3A_157 = tpu.memref_slice %arg13[%dma_start3A_155, %dma_start3A_156] : memref<256x128xf32, #tpu.memory_space<vmem>> -> memref<128x128xf32, #tpu.memory_space<vmem>>
    %dma_start3A_158 = arith.constant 384 : i32
    %dma_start3A_159 = tpu.memref_slice %arg10[%dma_start3A_158] : memref<512xi32, #tpu.memory_space<vmem>> -> memref<128xi32, #tpu.memory_space<vmem>>
    %dma_start3A_160 = arith.constant 0 : i32
    %dma_start3A_161 = arith.constant 0 : i32
    %dma_start3A_162 = tpu.memref_slice %arg6[%dma_start3A_160, %dma_start3A_161] : memref<100000x128xf32, #tpu.memory_space<hbm>> -> memref<100000x128xf32, #tpu.memory_space<hbm>>
    tpu.enqueue_indirect_dma source(%dma_start3A_162 : memref<100000x128xf32, #tpu.memory_space<hbm>>) target(%dma_start3A_157 : memref<128x128xf32, #tpu.memory_space<vmem>>) offsets(%dma_start3A_159 : memref<128xi32, #tpu.memory_space<vmem>>) semaphore(%arg18 : memref<!tpu.dma_semaphore, #tpu.memory_space<semaphore_mem>>)
    %dma_start3A_163 = arith.constant 128 : i32
    %dma_start3A_164 = arith.constant 0 : i32
    %dma_start3A_165 = tpu.memref_slice %arg14[%dma_start3A_163, %dma_start3A_164] : memref<256x128xf32, #tpu.memory_space<vmem>> -> memref<128x128xf32, #tpu.memory_space<vmem>>
    %dma_start3A_166 = arith.constant 384 : i32
    %dma_start3A_167 = tpu.memref_slice %arg11[%dma_start3A_166] : memref<512xi32, #tpu.memory_space<vmem>> -> memref<128xi32, #tpu.memory_space<vmem>>
    %dma_start3A_168 = arith.constant 0 : i32
    %dma_start3A_169 = arith.constant 0 : i32
    %dma_start3A_170 = tpu.memref_slice %arg6[%dma_start3A_168, %dma_start3A_169] : memref<100000x128xf32, #tpu.memory_space<hbm>> -> memref<100000x128xf32, #tpu.memory_space<hbm>>
    tpu.enqueue_indirect_dma source(%dma_start3A_170 : memref<100000x128xf32, #tpu.memory_space<hbm>>) target(%dma_start3A_165 : memref<128x128xf32, #tpu.memory_space<vmem>>) offsets(%dma_start3A_167 : memref<128xi32, #tpu.memory_space<vmem>>) semaphore(%arg18 : memref<!tpu.dma_semaphore, #tpu.memory_space<semaphore_mem>>)
    %dma_wait3A_171 = arith.constant 0 : i32
    %dma_wait3A_172 = arith.constant 0 : i32
    %dma_wait3A_173 = tpu.memref_slice %arg12[%dma_wait3A_171, %dma_wait3A_172] : memref<256x128xf32, #tpu.memory_space<vmem>> -> memref<128x128xf32, #tpu.memory_space<vmem>>
    %dma_wait3A_174 = arith.constant 256 : i32
    %dma_wait3A_175 = tpu.memref_slice %arg9[%dma_wait3A_174] : memref<512xi32, #tpu.memory_space<vmem>> -> memref<128xi32, #tpu.memory_space<vmem>>
    %dma_wait3A_176 = arith.constant 0 : i32
    %dma_wait3A_177 = arith.constant 0 : i32
    %dma_wait3A_178 = tpu.memref_slice %arg5[%dma_wait3A_176, %dma_wait3A_177] : memref<100000x128xf32, #tpu.memory_space<hbm>> -> memref<100000x128xf32, #tpu.memory_space<hbm>>
    tpu.wait_indirect_dma semaphore(%arg17 : memref<!tpu.dma_semaphore, #tpu.memory_space<semaphore_mem>>) src(%dma_wait3A_178 : memref<100000x128xf32, #tpu.memory_space<hbm>>) dst(%dma_wait3A_173 : memref<128x128xf32, #tpu.memory_space<vmem>>)
    %dma_wait3A_179 = arith.constant 0 : i32
    %dma_wait3A_180 = arith.constant 0 : i32
    %dma_wait3A_181 = tpu.memref_slice %arg13[%dma_wait3A_179, %dma_wait3A_180] : memref<256x128xf32, #tpu.memory_space<vmem>> -> memref<128x128xf32, #tpu.memory_space<vmem>>
    %dma_wait3A_182 = arith.constant 256 : i32
    %dma_wait3A_183 = tpu.memref_slice %arg10[%dma_wait3A_182] : memref<512xi32, #tpu.memory_space<vmem>> -> memref<128xi32, #tpu.memory_space<vmem>>
    %dma_wait3A_184 = arith.constant 0 : i32
    %dma_wait3A_185 = arith.constant 0 : i32
    %dma_wait3A_186 = tpu.memref_slice %arg6[%dma_wait3A_184, %dma_wait3A_185] : memref<100000x128xf32, #tpu.memory_space<hbm>> -> memref<100000x128xf32, #tpu.memory_space<hbm>>
    tpu.wait_indirect_dma semaphore(%arg17 : memref<!tpu.dma_semaphore, #tpu.memory_space<semaphore_mem>>) src(%dma_wait3A_186 : memref<100000x128xf32, #tpu.memory_space<hbm>>) dst(%dma_wait3A_181 : memref<128x128xf32, #tpu.memory_space<vmem>>)
    %dma_wait3A_187 = arith.constant 0 : i32
    %dma_wait3A_188 = arith.constant 0 : i32
    %dma_wait3A_189 = tpu.memref_slice %arg14[%dma_wait3A_187, %dma_wait3A_188] : memref<256x128xf32, #tpu.memory_space<vmem>> -> memref<128x128xf32, #tpu.memory_space<vmem>>
    %dma_wait3A_190 = arith.constant 256 : i32
    %dma_wait3A_191 = tpu.memref_slice %arg11[%dma_wait3A_190] : memref<512xi32, #tpu.memory_space<vmem>> -> memref<128xi32, #tpu.memory_space<vmem>>
    %dma_wait3A_192 = arith.constant 0 : i32
    %dma_wait3A_193 = arith.constant 0 : i32
    %dma_wait3A_194 = tpu.memref_slice %arg6[%dma_wait3A_192, %dma_wait3A_193] : memref<100000x128xf32, #tpu.memory_space<hbm>> -> memref<100000x128xf32, #tpu.memory_space<hbm>>
    tpu.wait_indirect_dma semaphore(%arg17 : memref<!tpu.dma_semaphore, #tpu.memory_space<semaphore_mem>>) src(%dma_wait3A_194 : memref<100000x128xf32, #tpu.memory_space<hbm>>) dst(%dma_wait3A_189 : memref<128x128xf32, #tpu.memory_space<vmem>>)
    %scan3A_195 = arith.constant 0 : i32
    %scan3A_196 = arith.constant 0 : i32
    %scan3A_197 = arith.constant 8 : i32
    %scan3A_198 = arith.addi %scan3A_196, %scan3A_197 : i32
    %scan3A_199 = arith.constant 1 : i32
    %scan3A_200 = scf.for %scan3A_233 = %scan3A_196 to %scan3A_198 step %scan3A_199 iter_args(%scan3A_234 = %scan3A_195) -> (i32)  : i32 {
      %mul3A_235 = arith.constant 16 : i32
      %mul3A_236 = arith.muli %scan3A_233, %mul3A_235 : i32
      %add3A_237 = arith.constant 0 : i32
      %add3A_238 = arith.addi %add3A_237, %mul3A_236 : i32
      %add3A_239 = vector.broadcast %add3A_238 : i32 to vector<16xi32>
      %add3A_240 = arith.addi %add3A_239, %iota3A : vector<16xi32>
      %scan3A_241 = arith.constant 0 : i32
      %scan3A_242 = arith.constant 16 : i32
      %scan3A_243 = arith.addi %scan3A_241, %scan3A_242 : i32
      %scan3A_244 = arith.constant 1 : i32
      %scan3A_245:8 = scf.for %scan3A_265 = %scan3A_241 to %scan3A_243 step %scan3A_244 iter_args(%scan3A_266 = %broadcast_in_dim3A_13, %scan3A_267 = %broadcast_in_dim3A_13, %scan3A_268 = %broadcast_in_dim3A_13, %scan3A_269 = %broadcast_in_dim3A_13, %scan3A_270 = %broadcast_in_dim3A_13, %scan3A_271 = %broadcast_in_dim3A_13, %scan3A_272 = %broadcast_in_dim3A_13, %scan3A_273 = %broadcast_in_dim3A_13) -> (vector<16xf32>, vector<16xf32>, vector<16xf32>, vector<16xf32>, vector<16xf32>, vector<16xf32>, vector<16xf32>, vector<16xf32>)  : i32 {
        %mul3A_274 = arith.constant 8 : i32
        %mul3A_275 = arith.muli %scan3A_265, %mul3A_274 : i32
        %add3A_276 = arith.constant 0 : i32
        %add3A_277 = arith.addi %mul3A_275, %add3A_276 : i32
        %broadcast_in_dim3A_278 = vector.broadcast %add3A_277 : i32 to vector<16xi32>
        %add3A_279 = arith.addi %broadcast_in_dim3A_278, %iota3A : vector<16xi32>
        %and3A = arith.constant 127 : i32
        %and3A_280 = vector.broadcast %and3A : i32 to vector<16xi32>
        %and3A_281 = arith.andi %add3A_279, %and3A_280 : vector<16xi32>
        %gather3A = tpu.vector_load_idx %arg12[%add3A_240, %and3A_281] : memref<256x128xf32, #tpu.memory_space<vmem>>[vector<16xi32>, vector<16xi32>], vector<16xf32>,
        %gather3A_282 = tpu.vector_load_idx %arg13[%add3A_240, %and3A_281] : memref<256x128xf32, #tpu.memory_space<vmem>>[vector<16xi32>, vector<16xi32>], vector<16xf32>,
        %gather3A_283 = tpu.vector_load_idx %arg14[%add3A_240, %and3A_281] : memref<256x128xf32, #tpu.memory_space<vmem>>[vector<16xi32>, vector<16xi32>], vector<16xf32>,
        %mul3A_284 = arith.mulf %gather3A, %gather3A_282 : vector<16xf32>
        %add3A_285 = arith.addf %scan3A_266, %mul3A_284 : vector<16xf32>
        %mul3A_286 = arith.mulf %gather3A, %gather3A_283 : vector<16xf32>
        %add3A_287 = arith.addf %scan3A_270, %mul3A_286 : vector<16xf32>
        %mul3A_288 = arith.constant 8 : i32
        %mul3A_289 = arith.muli %scan3A_265, %mul3A_288 : i32
        %add3A_290 = arith.constant 1 : i32
        %add3A_291 = arith.addi %mul3A_289, %add3A_290 : i32
        %broadcast_in_dim3A_292 = vector.broadcast %add3A_291 : i32 to vector<16xi32>
        %add3A_293 = arith.addi %broadcast_in_dim3A_292, %iota3A : vector<16xi32>
        %and3A_294 = arith.constant 127 : i32
        %and3A_295 = vector.broadcast %and3A_294 : i32 to vector<16xi32>
        %and3A_296 = arith.andi %add3A_293, %and3A_295 : vector<16xi32>
        %gather3A_297 = tpu.vector_load_idx %arg12[%add3A_240, %and3A_296] : memref<256x128xf32, #tpu.memory_space<vmem>>[vector<16xi32>, vector<16xi32>], vector<16xf32>,
        %gather3A_298 = tpu.vector_load_idx %arg13[%add3A_240, %and3A_296] : memref<256x128xf32, #tpu.memory_space<vmem>>[vector<16xi32>, vector<16xi32>], vector<16xf32>,
        %gather3A_299 = tpu.vector_load_idx %arg14[%add3A_240, %and3A_296] : memref<256x128xf32, #tpu.memory_space<vmem>>[vector<16xi32>, vector<16xi32>], vector<16xf32>,
        %mul3A_300 = arith.mulf %gather3A_297, %gather3A_298 : vector<16xf32>
        %add3A_301 = arith.addf %scan3A_267, %mul3A_300 : vector<16xf32>
        %mul3A_302 = arith.mulf %gather3A_297, %gather3A_299 : vector<16xf32>
        %add3A_303 = arith.addf %scan3A_271, %mul3A_302 : vector<16xf32>
        %mul3A_304 = arith.constant 8 : i32
        %mul3A_305 = arith.muli %scan3A_265, %mul3A_304 : i32
        %add3A_306 = arith.constant 2 : i32
        %add3A_307 = arith.addi %mul3A_305, %add3A_306 : i32
        %broadcast_in_dim3A_308 = vector.broadcast %add3A_307 : i32 to vector<16xi32>
        %add3A_309 = arith.addi %broadcast_in_dim3A_308, %iota3A : vector<16xi32>
        %and3A_310 = arith.constant 127 : i32
        %and3A_311 = vector.broadcast %and3A_310 : i32 to vector<16xi32>
        %and3A_312 = arith.andi %add3A_309, %and3A_311 : vector<16xi32>
        %gather3A_313 = tpu.vector_load_idx %arg12[%add3A_240, %and3A_312] : memref<256x128xf32, #tpu.memory_space<vmem>>[vector<16xi32>, vector<16xi32>], vector<16xf32>,
        %gather3A_314 = tpu.vector_load_idx %arg13[%add3A_240, %and3A_312] : memref<256x128xf32, #tpu.memory_space<vmem>>[vector<16xi32>, vector<16xi32>], vector<16xf32>,
        %gather3A_315 = tpu.vector_load_idx %arg14[%add3A_240, %and3A_312] : memref<256x128xf32, #tpu.memory_space<vmem>>[vector<16xi32>, vector<16xi32>], vector<16xf32>,
        %mul3A_316 = arith.mulf %gather3A_313, %gather3A_314 : vector<16xf32>
        %add3A_317 = arith.addf %scan3A_268, %mul3A_316 : vector<16xf32>
        %mul3A_318 = arith.mulf %gather3A_313, %gather3A_315 : vector<16xf32>
        %add3A_319 = arith.addf %scan3A_272, %mul3A_318 : vector<16xf32>
        %mul3A_320 = arith.constant 8 : i32
        %mul3A_321 = arith.muli %scan3A_265, %mul3A_320 : i32
        %add3A_322 = arith.constant 3 : i32
        %add3A_323 = arith.addi %mul3A_321, %add3A_322 : i32
        %broadcast_in_dim3A_324 = vector.broadcast %add3A_323 : i32 to vector<16xi32>
        %add3A_325 = arith.addi %broadcast_in_dim3A_324, %iota3A : vector<16xi32>
        %and3A_326 = arith.constant 127 : i32
        %and3A_327 = vector.broadcast %and3A_326 : i32 to vector<16xi32>
        %and3A_328 = arith.andi %add3A_325, %and3A_327 : vector<16xi32>
        %gather3A_329 = tpu.vector_load_idx %arg12[%add3A_240, %and3A_328] : memref<256x128xf32, #tpu.memory_space<vmem>>[vector<16xi32>, vector<16xi32>], vector<16xf32>,
        %gather3A_330 = tpu.vector_load_idx %arg13[%add3A_240, %and3A_328] : memref<256x128xf32, #tpu.memory_space<vmem>>[vector<16xi32>, vector<16xi32>], vector<16xf32>,
        %gather3A_331 = tpu.vector_load_idx %arg14[%add3A_240, %and3A_328] : memref<256x128xf32, #tpu.memory_space<vmem>>[vector<16xi32>, vector<16xi32>], vector<16xf32>,
        %mul3A_332 = arith.mulf %gather3A_329, %gather3A_330 : vector<16xf32>
        %add3A_333 = arith.addf %scan3A_269, %mul3A_332 : vector<16xf32>
        %mul3A_334 = arith.mulf %gather3A_329, %gather3A_331 : vector<16xf32>
        %add3A_335 = arith.addf %scan3A_273, %mul3A_334 : vector<16xf32>
        %mul3A_336 = arith.constant 8 : i32
        %mul3A_337 = arith.muli %scan3A_265, %mul3A_336 : i32
        %add3A_338 = arith.constant 4 : i32
        %add3A_339 = arith.addi %mul3A_337, %add3A_338 : i32
        %broadcast_in_dim3A_340 = vector.broadcast %add3A_339 : i32 to vector<16xi32>
        %add3A_341 = arith.addi %broadcast_in_dim3A_340, %iota3A : vector<16xi32>
        %and3A_342 = arith.constant 127 : i32
        %and3A_343 = vector.broadcast %and3A_342 : i32 to vector<16xi32>
        %and3A_344 = arith.andi %add3A_341, %and3A_343 : vector<16xi32>
        %gather3A_345 = tpu.vector_load_idx %arg12[%add3A_240, %and3A_344] : memref<256x128xf32, #tpu.memory_space<vmem>>[vector<16xi32>, vector<16xi32>], vector<16xf32>,
        %gather3A_346 = tpu.vector_load_idx %arg13[%add3A_240, %and3A_344] : memref<256x128xf32, #tpu.memory_space<vmem>>[vector<16xi32>, vector<16xi32>], vector<16xf32>,
        %gather3A_347 = tpu.vector_load_idx %arg14[%add3A_240, %and3A_344] : memref<256x128xf32, #tpu.memory_space<vmem>>[vector<16xi32>, vector<16xi32>], vector<16xf32>,
        %mul3A_348 = arith.mulf %gather3A_345, %gather3A_346 : vector<16xf32>
        %add3A_349 = arith.addf %add3A_285, %mul3A_348 : vector<16xf32>
        %mul3A_350 = arith.mulf %gather3A_345, %gather3A_347 : vector<16xf32>
        %add3A_351 = arith.addf %add3A_287, %mul3A_350 : vector<16xf32>
        %mul3A_352 = arith.constant 8 : i32
        %mul3A_353 = arith.muli %scan3A_265, %mul3A_352 : i32
        %add3A_354 = arith.constant 5 : i32
        %add3A_355 = arith.addi %mul3A_353, %add3A_354 : i32
        %broadcast_in_dim3A_356 = vector.broadcast %add3A_355 : i32 to vector<16xi32>
        %add3A_357 = arith.addi %broadcast_in_dim3A_356, %iota3A : vector<16xi32>
        %and3A_358 = arith.constant 127 : i32
        %and3A_359 = vector.broadcast %and3A_358 : i32 to vector<16xi32>
        %and3A_360 = arith.andi %add3A_357, %and3A_359 : vector<16xi32>
        %gather3A_361 = tpu.vector_load_idx %arg12[%add3A_240, %and3A_360] : memref<256x128xf32, #tpu.memory_space<vmem>>[vector<16xi32>, vector<16xi32>], vector<16xf32>,
        %gather3A_362 = tpu.vector_load_idx %arg13[%add3A_240, %and3A_360] : memref<256x128xf32, #tpu.memory_space<vmem>>[vector<16xi32>, vector<16xi32>], vector<16xf32>,
        %gather3A_363 = tpu.vector_load_idx %arg14[%add3A_240, %and3A_360] : memref<256x128xf32, #tpu.memory_space<vmem>>[vector<16xi32>, vector<16xi32>], vector<16xf32>,
        %mul3A_364 = arith.mulf %gather3A_361, %gather3A_362 : vector<16xf32>
        %add3A_365 = arith.addf %add3A_301, %mul3A_364 : vector<16xf32>
        %mul3A_366 = arith.mulf %gather3A_361, %gather3A_363 : vector<16xf32>
        %add3A_367 = arith.addf %add3A_303, %mul3A_366 : vector<16xf32>
        %mul3A_368 = arith.constant 8 : i32
        %mul3A_369 = arith.muli %scan3A_265, %mul3A_368 : i32
        %add3A_370 = arith.constant 6 : i32
        %add3A_371 = arith.addi %mul3A_369, %add3A_370 : i32
        %broadcast_in_dim3A_372 = vector.broadcast %add3A_371 : i32 to vector<16xi32>
        %add3A_373 = arith.addi %broadcast_in_dim3A_372, %iota3A : vector<16xi32>
        %and3A_374 = arith.constant 127 : i32
        %and3A_375 = vector.broadcast %and3A_374 : i32 to vector<16xi32>
        %and3A_376 = arith.andi %add3A_373, %and3A_375 : vector<16xi32>
        %gather3A_377 = tpu.vector_load_idx %arg12[%add3A_240, %and3A_376] : memref<256x128xf32, #tpu.memory_space<vmem>>[vector<16xi32>, vector<16xi32>], vector<16xf32>,
        %gather3A_378 = tpu.vector_load_idx %arg13[%add3A_240, %and3A_376] : memref<256x128xf32, #tpu.memory_space<vmem>>[vector<16xi32>, vector<16xi32>], vector<16xf32>,
        %gather3A_379 = tpu.vector_load_idx %arg14[%add3A_240, %and3A_376] : memref<256x128xf32, #tpu.memory_space<vmem>>[vector<16xi32>, vector<16xi32>], vector<16xf32>,
        %mul3A_380 = arith.mulf %gather3A_377, %gather3A_378 : vector<16xf32>
        %add3A_381 = arith.addf %add3A_317, %mul3A_380 : vector<16xf32>
        %mul3A_382 = arith.mulf %gather3A_377, %gather3A_379 : vector<16xf32>
        %add3A_383 = arith.addf %add3A_319, %mul3A_382 : vector<16xf32>
        %mul3A_384 = arith.constant 8 : i32
        %mul3A_385 = arith.muli %scan3A_265, %mul3A_384 : i32
        %add3A_386 = arith.constant 7 : i32
        %add3A_387 = arith.addi %mul3A_385, %add3A_386 : i32
        %broadcast_in_dim3A_388 = vector.broadcast %add3A_387 : i32 to vector<16xi32>
        %add3A_389 = arith.addi %broadcast_in_dim3A_388, %iota3A : vector<16xi32>
        %and3A_390 = arith.constant 127 : i32
        %and3A_391 = vector.broadcast %and3A_390 : i32 to vector<16xi32>
        %and3A_392 = arith.andi %add3A_389, %and3A_391 : vector<16xi32>
        %gather3A_393 = tpu.vector_load_idx %arg12[%add3A_240, %and3A_392] : memref<256x128xf32, #tpu.memory_space<vmem>>[vector<16xi32>, vector<16xi32>], vector<16xf32>,
        %gather3A_394 = tpu.vector_load_idx %arg13[%add3A_240, %and3A_392] : memref<256x128xf32, #tpu.memory_space<vmem>>[vector<16xi32>, vector<16xi32>], vector<16xf32>,
        %gather3A_395 = tpu.vector_load_idx %arg14[%add3A_240, %and3A_392] : memref<256x128xf32, #tpu.memory_space<vmem>>[vector<16xi32>, vector<16xi32>], vector<16xf32>,
        %mul3A_396 = arith.mulf %gather3A_393, %gather3A_394 : vector<16xf32>
        %add3A_397 = arith.addf %add3A_333, %mul3A_396 : vector<16xf32>
        %mul3A_398 = arith.mulf %gather3A_393, %gather3A_395 : vector<16xf32>
        %add3A_399 = arith.addf %add3A_335, %mul3A_398 : vector<16xf32>
        scf.yield %add3A_349, %add3A_365, %add3A_381, %add3A_397, %add3A_351, %add3A_367, %add3A_383, %add3A_399 : vector<16xf32>, vector<16xf32>, vector<16xf32>, vector<16xf32>, vector<16xf32>, vector<16xf32>, vector<16xf32>, vector<16xf32>
      }
      %scan3A_246 = arith.constant 16 : i32
      %add3A_247 = arith.addf %scan3A_245#0, %scan3A_245#1 : vector<16xf32>
      %add3A_248 = arith.addf %scan3A_245#2, %scan3A_245#3 : vector<16xf32>
      %add3A_249 = arith.addf %add3A_247, %add3A_248 : vector<16xf32>
      %add3A_250 = arith.addf %scan3A_245#4, %scan3A_245#5 : vector<16xf32>
      %add3A_251 = arith.addf %scan3A_245#6, %scan3A_245#7 : vector<16xf32>
      %add3A_252 = arith.addf %add3A_250, %add3A_251 : vector<16xf32>
      %mul3A_253 = arith.constant 16 : i32
      %mul3A_254 = arith.muli %scan3A_233, %mul3A_253 : i32
      %add3A_255 = arith.constant 256 : i32
      %add3A_256 = arith.addi %add3A_255, %mul3A_254 : i32
      %swap3A = arith.index_cast %add3A_256 : i32 to index
      %swap3A_257 = tpu.vector_load %arg15[%swap3A] {strides = array<i32>} : memref<512xf32, #tpu.memory_space<vmem>>, vector<16xf32>,
      tpu.vector_store %arg15[%swap3A], %add3A_249 {strides = array<i32>} : memref<512xf32, #tpu.memory_space<vmem>>, vector<16xf32>,
      %mul3A_258 = arith.constant 16 : i32
      %mul3A_259 = arith.muli %scan3A_233, %mul3A_258 : i32
      %add3A_260 = arith.constant 256 : i32
      %add3A_261 = arith.addi %add3A_260, %mul3A_259 : i32
      %swap3A_262 = arith.index_cast %add3A_261 : i32 to index
      %swap3A_263 = tpu.vector_load %arg16[%swap3A_262] {strides = array<i32>} : memref<512xf32, #tpu.memory_space<vmem>>, vector<16xf32>,
      tpu.vector_store %arg16[%swap3A_262], %add3A_252 {strides = array<i32>} : memref<512xf32, #tpu.memory_space<vmem>>, vector<16xf32>,
      %scan3A_264 = arith.constant 0 : i32
      scf.yield %scan3A_264 : i32
    }
    %scan3A_201 = arith.constant 8 : i32
    %dma_wait3A_202 = arith.constant 128 : i32
    %dma_wait3A_203 = arith.constant 0 : i32
    %dma_wait3A_204 = tpu.memref_slice %arg12[%dma_wait3A_202, %dma_wait3A_203] : memref<256x128xf32, #tpu.memory_space<vmem>> -> memref<128x128xf32, #tpu.memory_space<vmem>>
    %dma_wait3A_205 = arith.constant 384 : i32
    %dma_wait3A_206 = tpu.memref_slice %arg9[%dma_wait3A_205] : memref<512xi32, #tpu.memory_space<vmem>> -> memref<128xi32, #tpu.memory_space<vmem>>
    %dma_wait3A_207 = arith.constant 0 : i32
    %dma_wait3A_208 = arith.constant 0 : i32
    %dma_wait3A_209 = tpu.memref_slice %arg5[%dma_wait3A_207, %dma_wait3A_208] : memref<100000x128xf32, #tpu.memory_space<hbm>> -> memref<100000x128xf32, #tpu.memory_space<hbm>>
    tpu.wait_indirect_dma semaphore(%arg18 : memref<!tpu.dma_semaphore, #tpu.memory_space<semaphore_mem>>) src(%dma_wait3A_209 : memref<100000x128xf32, #tpu.memory_space<hbm>>) dst(%dma_wait3A_204 : memref<128x128xf32, #tpu.memory_space<vmem>>)
    %dma_wait3A_210 = arith.constant 128 : i32
    %dma_wait3A_211 = arith.constant 0 : i32
    %dma_wait3A_212 = tpu.memref_slice %arg13[%dma_wait3A_210, %dma_wait3A_211] : memref<256x128xf32, #tpu.memory_space<vmem>> -> memref<128x128xf32, #tpu.memory_space<vmem>>
    %dma_wait3A_213 = arith.constant 384 : i32
    %dma_wait3A_214 = tpu.memref_slice %arg10[%dma_wait3A_213] : memref<512xi32, #tpu.memory_space<vmem>> -> memref<128xi32, #tpu.memory_space<vmem>>
    %dma_wait3A_215 = arith.constant 0 : i32
    %dma_wait3A_216 = arith.constant 0 : i32
    %dma_wait3A_217 = tpu.memref_slice %arg6[%dma_wait3A_215, %dma_wait3A_216] : memref<100000x128xf32, #tpu.memory_space<hbm>> -> memref<100000x128xf32, #tpu.memory_space<hbm>>
    tpu.wait_indirect_dma semaphore(%arg18 : memref<!tpu.dma_semaphore, #tpu.memory_space<semaphore_mem>>) src(%dma_wait3A_217 : memref<100000x128xf32, #tpu.memory_space<hbm>>) dst(%dma_wait3A_212 : memref<128x128xf32, #tpu.memory_space<vmem>>)
    %dma_wait3A_218 = arith.constant 128 : i32
    %dma_wait3A_219 = arith.constant 0 : i32
    %dma_wait3A_220 = tpu.memref_slice %arg14[%dma_wait3A_218, %dma_wait3A_219] : memref<256x128xf32, #tpu.memory_space<vmem>> -> memref<128x128xf32, #tpu.memory_space<vmem>>
    %dma_wait3A_221 = arith.constant 384 : i32
    %dma_wait3A_222 = tpu.memref_slice %arg11[%dma_wait3A_221] : memref<512xi32, #tpu.memory_space<vmem>> -> memref<128xi32, #tpu.memory_space<vmem>>
    %dma_wait3A_223 = arith.constant 0 : i32
    %dma_wait3A_224 = arith.constant 0 : i32
    %dma_wait3A_225 = tpu.memref_slice %arg6[%dma_wait3A_223, %dma_wait3A_224] : memref<100000x128xf32, #tpu.memory_space<hbm>> -> memref<100000x128xf32, #tpu.memory_space<hbm>>
    tpu.wait_indirect_dma semaphore(%arg18 : memref<!tpu.dma_semaphore, #tpu.memory_space<semaphore_mem>>) src(%dma_wait3A_225 : memref<100000x128xf32, #tpu.memory_space<hbm>>) dst(%dma_wait3A_220 : memref<128x128xf32, #tpu.memory_space<vmem>>)
    %scan3A_226 = arith.constant 0 : i32
    %scan3A_227 = arith.constant 0 : i32
    %scan3A_228 = arith.constant 8 : i32
    %scan3A_229 = arith.addi %scan3A_227, %scan3A_228 : i32
    %scan3A_230 = arith.constant 1 : i32
    %scan3A_231 = scf.for %scan3A_233 = %scan3A_227 to %scan3A_229 step %scan3A_230 iter_args(%scan3A_234 = %scan3A_226) -> (i32)  : i32 {
      %mul3A_235 = arith.constant 16 : i32
      %mul3A_236 = arith.muli %scan3A_233, %mul3A_235 : i32
      %add3A_237 = arith.constant 128 : i32
      %add3A_238 = arith.addi %add3A_237, %mul3A_236 : i32
      %add3A_239 = vector.broadcast %add3A_238 : i32 to vector<16xi32>
      %add3A_240 = arith.addi %add3A_239, %iota3A : vector<16xi32>
      %scan3A_241 = arith.constant 0 : i32
      %scan3A_242 = arith.constant 16 : i32
      %scan3A_243 = arith.addi %scan3A_241, %scan3A_242 : i32
      %scan3A_244 = arith.constant 1 : i32
      %scan3A_245:8 = scf.for %scan3A_265 = %scan3A_241 to %scan3A_243 step %scan3A_244 iter_args(%scan3A_266 = %broadcast_in_dim3A_13, %scan3A_267 = %broadcast_in_dim3A_13, %scan3A_268 = %broadcast_in_dim3A_13, %scan3A_269 = %broadcast_in_dim3A_13, %scan3A_270 = %broadcast_in_dim3A_13, %scan3A_271 = %broadcast_in_dim3A_13, %scan3A_272 = %broadcast_in_dim3A_13, %scan3A_273 = %broadcast_in_dim3A_13) -> (vector<16xf32>, vector<16xf32>, vector<16xf32>, vector<16xf32>, vector<16xf32>, vector<16xf32>, vector<16xf32>, vector<16xf32>)  : i32 {
        %mul3A_274 = arith.constant 8 : i32
        %mul3A_275 = arith.muli %scan3A_265, %mul3A_274 : i32
        %add3A_276 = arith.constant 0 : i32
        %add3A_277 = arith.addi %mul3A_275, %add3A_276 : i32
        %broadcast_in_dim3A_278 = vector.broadcast %add3A_277 : i32 to vector<16xi32>
        %add3A_279 = arith.addi %broadcast_in_dim3A_278, %iota3A : vector<16xi32>
        %and3A = arith.constant 127 : i32
        %and3A_280 = vector.broadcast %and3A : i32 to vector<16xi32>
        %and3A_281 = arith.andi %add3A_279, %and3A_280 : vector<16xi32>
        %gather3A = tpu.vector_load_idx %arg12[%add3A_240, %and3A_281] : memref<256x128xf32, #tpu.memory_space<vmem>>[vector<16xi32>, vector<16xi32>], vector<16xf32>,
        %gather3A_282 = tpu.vector_load_idx %arg13[%add3A_240, %and3A_281] : memref<256x128xf32, #tpu.memory_space<vmem>>[vector<16xi32>, vector<16xi32>], vector<16xf32>,
        %gather3A_283 = tpu.vector_load_idx %arg14[%add3A_240, %and3A_281] : memref<256x128xf32, #tpu.memory_space<vmem>>[vector<16xi32>, vector<16xi32>], vector<16xf32>,
        %mul3A_284 = arith.mulf %gather3A, %gather3A_282 : vector<16xf32>
        %add3A_285 = arith.addf %scan3A_266, %mul3A_284 : vector<16xf32>
        %mul3A_286 = arith.mulf %gather3A, %gather3A_283 : vector<16xf32>
        %add3A_287 = arith.addf %scan3A_270, %mul3A_286 : vector<16xf32>
        %mul3A_288 = arith.constant 8 : i32
        %mul3A_289 = arith.muli %scan3A_265, %mul3A_288 : i32
        %add3A_290 = arith.constant 1 : i32
        %add3A_291 = arith.addi %mul3A_289, %add3A_290 : i32
        %broadcast_in_dim3A_292 = vector.broadcast %add3A_291 : i32 to vector<16xi32>
        %add3A_293 = arith.addi %broadcast_in_dim3A_292, %iota3A : vector<16xi32>
        %and3A_294 = arith.constant 127 : i32
        %and3A_295 = vector.broadcast %and3A_294 : i32 to vector<16xi32>
        %and3A_296 = arith.andi %add3A_293, %and3A_295 : vector<16xi32>
        %gather3A_297 = tpu.vector_load_idx %arg12[%add3A_240, %and3A_296] : memref<256x128xf32, #tpu.memory_space<vmem>>[vector<16xi32>, vector<16xi32>], vector<16xf32>,
        %gather3A_298 = tpu.vector_load_idx %arg13[%add3A_240, %and3A_296] : memref<256x128xf32, #tpu.memory_space<vmem>>[vector<16xi32>, vector<16xi32>], vector<16xf32>,
        %gather3A_299 = tpu.vector_load_idx %arg14[%add3A_240, %and3A_296] : memref<256x128xf32, #tpu.memory_space<vmem>>[vector<16xi32>, vector<16xi32>], vector<16xf32>,
        %mul3A_300 = arith.mulf %gather3A_297, %gather3A_298 : vector<16xf32>
        %add3A_301 = arith.addf %scan3A_267, %mul3A_300 : vector<16xf32>
        %mul3A_302 = arith.mulf %gather3A_297, %gather3A_299 : vector<16xf32>
        %add3A_303 = arith.addf %scan3A_271, %mul3A_302 : vector<16xf32>
        %mul3A_304 = arith.constant 8 : i32
        %mul3A_305 = arith.muli %scan3A_265, %mul3A_304 : i32
        %add3A_306 = arith.constant 2 : i32
        %add3A_307 = arith.addi %mul3A_305, %add3A_306 : i32
        %broadcast_in_dim3A_308 = vector.broadcast %add3A_307 : i32 to vector<16xi32>
        %add3A_309 = arith.addi %broadcast_in_dim3A_308, %iota3A : vector<16xi32>
        %and3A_310 = arith.constant 127 : i32
        %and3A_311 = vector.broadcast %and3A_310 : i32 to vector<16xi32>
        %and3A_312 = arith.andi %add3A_309, %and3A_311 : vector<16xi32>
        %gather3A_313 = tpu.vector_load_idx %arg12[%add3A_240, %and3A_312] : memref<256x128xf32, #tpu.memory_space<vmem>>[vector<16xi32>, vector<16xi32>], vector<16xf32>,
        %gather3A_314 = tpu.vector_load_idx %arg13[%add3A_240, %and3A_312] : memref<256x128xf32, #tpu.memory_space<vmem>>[vector<16xi32>, vector<16xi32>], vector<16xf32>,
        %gather3A_315 = tpu.vector_load_idx %arg14[%add3A_240, %and3A_312] : memref<256x128xf32, #tpu.memory_space<vmem>>[vector<16xi32>, vector<16xi32>], vector<16xf32>,
        %mul3A_316 = arith.mulf %gather3A_313, %gather3A_314 : vector<16xf32>
        %add3A_317 = arith.addf %scan3A_268, %mul3A_316 : vector<16xf32>
        %mul3A_318 = arith.mulf %gather3A_313, %gather3A_315 : vector<16xf32>
        %add3A_319 = arith.addf %scan3A_272, %mul3A_318 : vector<16xf32>
        %mul3A_320 = arith.constant 8 : i32
        %mul3A_321 = arith.muli %scan3A_265, %mul3A_320 : i32
        %add3A_322 = arith.constant 3 : i32
        %add3A_323 = arith.addi %mul3A_321, %add3A_322 : i32
        %broadcast_in_dim3A_324 = vector.broadcast %add3A_323 : i32 to vector<16xi32>
        %add3A_325 = arith.addi %broadcast_in_dim3A_324, %iota3A : vector<16xi32>
        %and3A_326 = arith.constant 127 : i32
        %and3A_327 = vector.broadcast %and3A_326 : i32 to vector<16xi32>
        %and3A_328 = arith.andi %add3A_325, %and3A_327 : vector<16xi32>
        %gather3A_329 = tpu.vector_load_idx %arg12[%add3A_240, %and3A_328] : memref<256x128xf32, #tpu.memory_space<vmem>>[vector<16xi32>, vector<16xi32>], vector<16xf32>,
        %gather3A_330 = tpu.vector_load_idx %arg13[%add3A_240, %and3A_328] : memref<256x128xf32, #tpu.memory_space<vmem>>[vector<16xi32>, vector<16xi32>], vector<16xf32>,
        %gather3A_331 = tpu.vector_load_idx %arg14[%add3A_240, %and3A_328] : memref<256x128xf32, #tpu.memory_space<vmem>>[vector<16xi32>, vector<16xi32>], vector<16xf32>,
        %mul3A_332 = arith.mulf %gather3A_329, %gather3A_330 : vector<16xf32>
        %add3A_333 = arith.addf %scan3A_269, %mul3A_332 : vector<16xf32>
        %mul3A_334 = arith.mulf %gather3A_329, %gather3A_331 : vector<16xf32>
        %add3A_335 = arith.addf %scan3A_273, %mul3A_334 : vector<16xf32>
        %mul3A_336 = arith.constant 8 : i32
        %mul3A_337 = arith.muli %scan3A_265, %mul3A_336 : i32
        %add3A_338 = arith.constant 4 : i32
        %add3A_339 = arith.addi %mul3A_337, %add3A_338 : i32
        %broadcast_in_dim3A_340 = vector.broadcast %add3A_339 : i32 to vector<16xi32>
        %add3A_341 = arith.addi %broadcast_in_dim3A_340, %iota3A : vector<16xi32>
        %and3A_342 = arith.constant 127 : i32
        %and3A_343 = vector.broadcast %and3A_342 : i32 to vector<16xi32>
        %and3A_344 = arith.andi %add3A_341, %and3A_343 : vector<16xi32>
        %gather3A_345 = tpu.vector_load_idx %arg12[%add3A_240, %and3A_344] : memref<256x128xf32, #tpu.memory_space<vmem>>[vector<16xi32>, vector<16xi32>], vector<16xf32>,
        %gather3A_346 = tpu.vector_load_idx %arg13[%add3A_240, %and3A_344] : memref<256x128xf32, #tpu.memory_space<vmem>>[vector<16xi32>, vector<16xi32>], vector<16xf32>,
        %gather3A_347 = tpu.vector_load_idx %arg14[%add3A_240, %and3A_344] : memref<256x128xf32, #tpu.memory_space<vmem>>[vector<16xi32>, vector<16xi32>], vector<16xf32>,
        %mul3A_348 = arith.mulf %gather3A_345, %gather3A_346 : vector<16xf32>
        %add3A_349 = arith.addf %add3A_285, %mul3A_348 : vector<16xf32>
        %mul3A_350 = arith.mulf %gather3A_345, %gather3A_347 : vector<16xf32>
        %add3A_351 = arith.addf %add3A_287, %mul3A_350 : vector<16xf32>
        %mul3A_352 = arith.constant 8 : i32
        %mul3A_353 = arith.muli %scan3A_265, %mul3A_352 : i32
        %add3A_354 = arith.constant 5 : i32
        %add3A_355 = arith.addi %mul3A_353, %add3A_354 : i32
        %broadcast_in_dim3A_356 = vector.broadcast %add3A_355 : i32 to vector<16xi32>
        %add3A_357 = arith.addi %broadcast_in_dim3A_356, %iota3A : vector<16xi32>
        %and3A_358 = arith.constant 127 : i32
        %and3A_359 = vector.broadcast %and3A_358 : i32 to vector<16xi32>
        %and3A_360 = arith.andi %add3A_357, %and3A_359 : vector<16xi32>
        %gather3A_361 = tpu.vector_load_idx %arg12[%add3A_240, %and3A_360] : memref<256x128xf32, #tpu.memory_space<vmem>>[vector<16xi32>, vector<16xi32>], vector<16xf32>,
        %gather3A_362 = tpu.vector_load_idx %arg13[%add3A_240, %and3A_360] : memref<256x128xf32, #tpu.memory_space<vmem>>[vector<16xi32>, vector<16xi32>], vector<16xf32>,
        %gather3A_363 = tpu.vector_load_idx %arg14[%add3A_240, %and3A_360] : memref<256x128xf32, #tpu.memory_space<vmem>>[vector<16xi32>, vector<16xi32>], vector<16xf32>,
        %mul3A_364 = arith.mulf %gather3A_361, %gather3A_362 : vector<16xf32>
        %add3A_365 = arith.addf %add3A_301, %mul3A_364 : vector<16xf32>
        %mul3A_366 = arith.mulf %gather3A_361, %gather3A_363 : vector<16xf32>
        %add3A_367 = arith.addf %add3A_303, %mul3A_366 : vector<16xf32>
        %mul3A_368 = arith.constant 8 : i32
        %mul3A_369 = arith.muli %scan3A_265, %mul3A_368 : i32
        %add3A_370 = arith.constant 6 : i32
        %add3A_371 = arith.addi %mul3A_369, %add3A_370 : i32
        %broadcast_in_dim3A_372 = vector.broadcast %add3A_371 : i32 to vector<16xi32>
        %add3A_373 = arith.addi %broadcast_in_dim3A_372, %iota3A : vector<16xi32>
        %and3A_374 = arith.constant 127 : i32
        %and3A_375 = vector.broadcast %and3A_374 : i32 to vector<16xi32>
        %and3A_376 = arith.andi %add3A_373, %and3A_375 : vector<16xi32>
        %gather3A_377 = tpu.vector_load_idx %arg12[%add3A_240, %and3A_376] : memref<256x128xf32, #tpu.memory_space<vmem>>[vector<16xi32>, vector<16xi32>], vector<16xf32>,
        %gather3A_378 = tpu.vector_load_idx %arg13[%add3A_240, %and3A_376] : memref<256x128xf32, #tpu.memory_space<vmem>>[vector<16xi32>, vector<16xi32>], vector<16xf32>,
        %gather3A_379 = tpu.vector_load_idx %arg14[%add3A_240, %and3A_376] : memref<256x128xf32, #tpu.memory_space<vmem>>[vector<16xi32>, vector<16xi32>], vector<16xf32>,
        %mul3A_380 = arith.mulf %gather3A_377, %gather3A_378 : vector<16xf32>
        %add3A_381 = arith.addf %add3A_317, %mul3A_380 : vector<16xf32>
        %mul3A_382 = arith.mulf %gather3A_377, %gather3A_379 : vector<16xf32>
        %add3A_383 = arith.addf %add3A_319, %mul3A_382 : vector<16xf32>
        %mul3A_384 = arith.constant 8 : i32
        %mul3A_385 = arith.muli %scan3A_265, %mul3A_384 : i32
        %add3A_386 = arith.constant 7 : i32
        %add3A_387 = arith.addi %mul3A_385, %add3A_386 : i32
        %broadcast_in_dim3A_388 = vector.broadcast %add3A_387 : i32 to vector<16xi32>
        %add3A_389 = arith.addi %broadcast_in_dim3A_388, %iota3A : vector<16xi32>
        %and3A_390 = arith.constant 127 : i32
        %and3A_391 = vector.broadcast %and3A_390 : i32 to vector<16xi32>
        %and3A_392 = arith.andi %add3A_389, %and3A_391 : vector<16xi32>
        %gather3A_393 = tpu.vector_load_idx %arg12[%add3A_240, %and3A_392] : memref<256x128xf32, #tpu.memory_space<vmem>>[vector<16xi32>, vector<16xi32>], vector<16xf32>,
        %gather3A_394 = tpu.vector_load_idx %arg13[%add3A_240, %and3A_392] : memref<256x128xf32, #tpu.memory_space<vmem>>[vector<16xi32>, vector<16xi32>], vector<16xf32>,
        %gather3A_395 = tpu.vector_load_idx %arg14[%add3A_240, %and3A_392] : memref<256x128xf32, #tpu.memory_space<vmem>>[vector<16xi32>, vector<16xi32>], vector<16xf32>,
        %mul3A_396 = arith.mulf %gather3A_393, %gather3A_394 : vector<16xf32>
        %add3A_397 = arith.addf %add3A_333, %mul3A_396 : vector<16xf32>
        %mul3A_398 = arith.mulf %gather3A_393, %gather3A_395 : vector<16xf32>
        %add3A_399 = arith.addf %add3A_335, %mul3A_398 : vector<16xf32>
        scf.yield %add3A_349, %add3A_365, %add3A_381, %add3A_397, %add3A_351, %add3A_367, %add3A_383, %add3A_399 : vector<16xf32>, vector<16xf32>, vector<16xf32>, vector<16xf32>, vector<16xf32>, vector<16xf32>, vector<16xf32>, vector<16xf32>
      }
      %scan3A_246 = arith.constant 16 : i32
      %add3A_247 = arith.addf %scan3A_245#0, %scan3A_245#1 : vector<16xf32>
      %add3A_248 = arith.addf %scan3A_245#2, %scan3A_245#3 : vector<16xf32>
      %add3A_249 = arith.addf %add3A_247, %add3A_248 : vector<16xf32>
      %add3A_250 = arith.addf %scan3A_245#4, %scan3A_245#5 : vector<16xf32>
      %add3A_251 = arith.addf %scan3A_245#6, %scan3A_245#7 : vector<16xf32>
      %add3A_252 = arith.addf %add3A_250, %add3A_251 : vector<16xf32>
      %mul3A_253 = arith.constant 16 : i32
      %mul3A_254 = arith.muli %scan3A_233, %mul3A_253 : i32
      %add3A_255 = arith.constant 384 : i32
      %add3A_256 = arith.addi %add3A_255, %mul3A_254 : i32
      %swap3A = arith.index_cast %add3A_256 : i32 to index
      %swap3A_257 = tpu.vector_load %arg15[%swap3A] {strides = array<i32>} : memref<512xf32, #tpu.memory_space<vmem>>, vector<16xf32>,
      tpu.vector_store %arg15[%swap3A], %add3A_249 {strides = array<i32>} : memref<512xf32, #tpu.memory_space<vmem>>, vector<16xf32>,
      %mul3A_258 = arith.constant 16 : i32
      %mul3A_259 = arith.muli %scan3A_233, %mul3A_258 : i32
      %add3A_260 = arith.constant 384 : i32
      %add3A_261 = arith.addi %add3A_260, %mul3A_259 : i32
      %swap3A_262 = arith.index_cast %add3A_261 : i32 to index
      %swap3A_263 = tpu.vector_load %arg16[%swap3A_262] {strides = array<i32>} : memref<512xf32, #tpu.memory_space<vmem>>, vector<16xf32>,
      tpu.vector_store %arg16[%swap3A_262], %add3A_252 {strides = array<i32>} : memref<512xf32, #tpu.memory_space<vmem>>, vector<16xf32>,
      %scan3A_264 = arith.constant 0 : i32
      scf.yield %scan3A_264 : i32
    }
    %scan3A_232 = arith.constant 8 : i32
    "tpu.region"() ({
      %run_scoped3A = tpu.sem_alloc : memref<!tpu.dma_semaphore, #tpu.memory_space<semaphore_mem>>
      %dma_start3A_233 = tpu.memref_slice %arg7[%mul3A_2] : memref<16384xf32, #tpu.memory_space<hbm>> -> memref<512xf32, #tpu.memory_space<hbm>>
      %dma_start3A_234 = tpu.memref_slice %arg7[%mul3A_2] : memref<16384xf32, #tpu.memory_space<hbm>> -> memref<512xf32, #tpu.memory_space<hbm>>
      tpu.enqueue_dma source(%arg15 : memref<512xf32, #tpu.memory_space<vmem>>) target(%dma_start3A_234 : memref<512xf32, #tpu.memory_space<hbm>>) target_semaphore(%run_scoped3A : memref<!tpu.dma_semaphore, #tpu.memory_space<semaphore_mem>>)
      %dma_wait3A_235 = tpu.memref_slice %arg7[%mul3A_2] : memref<16384xf32, #tpu.memory_space<hbm>> -> memref<512xf32, #tpu.memory_space<hbm>>
      %dma_wait3A_236 = tpu.memref_slice %arg7[%mul3A_2] : memref<16384xf32, #tpu.memory_space<hbm>> -> memref<512xf32, #tpu.memory_space<hbm>>
      tpu.wait_dma2 semaphore(%run_scoped3A : memref<!tpu.dma_semaphore, #tpu.memory_space<semaphore_mem>>) src(%arg15 : memref<512xf32, #tpu.memory_space<vmem>>) dst(%dma_wait3A_236 : memref<512xf32, #tpu.memory_space<hbm>>)
      tpu.yield
    }) : () -> ()
    "tpu.region"() ({
      %run_scoped3A = tpu.sem_alloc : memref<!tpu.dma_semaphore, #tpu.memory_space<semaphore_mem>>
      %dma_start3A_233 = tpu.memref_slice %arg8[%mul3A_2] : memref<16384xf32, #tpu.memory_space<hbm>> -> memref<512xf32, #tpu.memory_space<hbm>>
      %dma_start3A_234 = tpu.memref_slice %arg8[%mul3A_2] : memref<16384xf32, #tpu.memory_space<hbm>> -> memref<512xf32, #tpu.memory_space<hbm>>
      tpu.enqueue_dma source(%arg16 : memref<512xf32, #tpu.memory_space<vmem>>) target(%dma_start3A_234 : memref<512xf32, #tpu.memory_space<hbm>>) target_semaphore(%run_scoped3A : memref<!tpu.dma_semaphore, #tpu.memory_space<semaphore_mem>>)
      %dma_wait3A_235 = tpu.memref_slice %arg8[%mul3A_2] : memref<16384xf32, #tpu.memory_space<hbm>> -> memref<512xf32, #tpu.memory_space<hbm>>
      %dma_wait3A_236 = tpu.memref_slice %arg8[%mul3A_2] : memref<16384xf32, #tpu.memory_space<hbm>> -> memref<512xf32, #tpu.memory_space<hbm>>
      tpu.wait_dma2 semaphore(%run_scoped3A : memref<!tpu.dma_semaphore, #tpu.memory_space<semaphore_mem>>) src(%arg16 : memref<512xf32, #tpu.memory_space<vmem>>) dst(%dma_wait3A_236 : memref<512xf32, #tpu.memory_space<hbm>>)
      tpu.yield
    }) : () -> ()
    return
  }
}

</mosaic_0001>

<sc_bundles>
// kernel: _bpr.3.cloned.1.call-start
scs
__scs_entry_jumppad:
0x0: {  	(pc) =	sbr.rel $0x88, $3  }
0x1: {  	(tag) =	ssettag $0x0;
	lr =	simm.s32 $0x1  }
0x2: {  	[smem:$0x3F9C] =	sst lr;
	_ =	strace $0xD0000000  }
0x3: {  	_ = 	snop  }
0x4: {  	_ = 	snop  }
0x5: {  	_ = 	snop  }
0x6: {  	_ = 	snop  }
0x7: {  	_ = 	snop  }
__scs_overlays_trampoline_lowered:
0x8: {  	[smem:$0x3FAB] =	sst s0  }
0x9: {  	[smem:$0x3FAC] =	sst s1  }
0xa: {  	[smem:$0x3FAD] =	sst s2  }
0xb: {  	[smem:$0x3FAE] =	sst s3  }
0xc: {  	[smem:$0x3FAF] =	sst s4  }
0xd: {  	[smem:$0x3FB0] =	sst s5  }
0xe: {  	[smem:$0x3FB1] =	sst s6  }
0xf: {  	[smem:$0x3FB2] =	sst s7  }
0x10: {  	[smem:$0x3FB3] =	sst s8  }
0x11: {  	[smem:$0x3FB4] =	sst s9;
	s0 =	simm.s32 @!p0 $0x0  }
0x12: {  	s1 =	sld [smem:$0x3F9A];
	s0 =	simm.s32 @p0 $0x1  }
0x13: {  	[smem:$0x3FB5] =	sst s0;
	s0 =	simm.s32 @!p1 $0x0  }
0x14: {  	s2 =	sld [smem:$0x3F99];
	s0 =	simm.s32 @p1 $0x1  }
0x15: {  	[smem:$0x3FB6] =	sst s0;
	s0 =	simm.s32 @!p2 $0x0  }
0x16: {  	s3 =	sld [smem:$0x3FDB];
	s0 =	simm.s32 @p2 $0x1  }
0x17: {  	s4 =	simm.s32 $0x1BF5;
	[smem:$0x3FB8] =	sst s0  }
0x18: {  	s0 =	sld [smem:$0x3F9B];
	_ =	swait.ge [sflag:s4], $0x0  }
0x19: {  	s7 =	sld [smem:$0x3F9C]  }
0x1a: {  	s8 =	sadd.s32 $0xFFFFE003, lr  }
0x1b: {  	s9 =	sadd.s32 $0xFFFFFEF7, lr;
	s5 =	simm.s32 $0xFFFFFFFF;
	p2 =	slt.u32 s8, $0xFFFFF086  }
0x1c: {  	p1 =	slt.u32 s9, $0xF7A;
	s5 =	simm.s32 @!p2 $0x0  }
0x1d: {  	s5 =	simm.s32 @p1 $0x1;
	p0 =	seq.s32 s7, s2  }
0x1e: {  	s7 =	smul.u32 @!p0 $0xF7A, s2;
	p2 =	seq.s32 @!p0 s5, $0x0  }
0x1f: {  	s9 =	smul.u32 $0xF7A, s1;
	s8 =	simm.s32 @!p0 $0x1BF5;
	p2 =	por !p2, p0  }
0x20: {  	[sflag:s8] =	ssyncset.s32 @!p0 $0xFFFFF086;
	s6 =	sadd.s32 @!p0 s3, s7;
	s7 =	simm.s32 @!p0 $0x108  }
0x21: {  	s3 =	sadd.s32 s3, s9;
	s6 =	sadd.s32 @!p0 $0x88, s6;
	s7 =	simm.s32 @p2 $0x1082  }
0x22: {  	[simem:s7], [sflag:s8] =	dma.local @!p0 [hbm:s6], $0xF7A  }
0x23: {  	s9 =	sor.u32 $0xD0000000, s2;
	s6 =	simm.s32 $0x108;
	_ =	swait.ge @!p0 [sflag:s8], $0x0  }
0x24: {  	s3 =	sadd.s32 $0x88, s3;
	s6 =	simm.s32 @!p1 $0x1082;
	[sflag:s4] =	ssyncset.s32 $0xFFFFF086  }
0x25: {  	[simem:s6], [sflag:s4] =	dma.local [hbm:s3], $0xF7A  }
0x26: {  	[smem:$0x3F9C] =	sst s1;
	(tag) =	ssettag s2;
	_ =	strace s9  }
0x27: {  	s1 =	sld [smem:$0x3FAC]  }
0x28: {  	s2 =	sld [smem:$0x3FAD]  }
0x29: {  	s4 =	sld [smem:$0x3FAF]  }
0x2a: {  	p0 =	seq.s32 s5, $0x0;
	s5 =	sld [smem:$0x3FB0]  }
0x2b: {  	s6 =	sld [smem:$0x3FB1]  }
0x2c: {  	s7 =	sld [smem:$0x3FB2]  }
0x2d: {  	s3 =	simm.s32 $0x108;
	s8 =	sld [smem:$0x3FB3]  }
0x2e: {  	s3 =	simm.s32 @!p0 $0x1082;
	s9 =	sld [smem:$0x3FB4]  }
0x2f: {  	lr =	sadd.s32 s0, s3;
	s0 =	sld [smem:$0x3FAB]  }
0x30: {  	s3 =	sld [smem:$0x3FAE]  }
0x31: {  	[smem:$0x3FB7] =	sst s10  }
0x32: {  	s10 =	sld [smem:$0x3FB5];
	_ =	sdelay $0x3  }
0x33: {  	p0 =	seq.s32 s10, $0x1;
	s10 =	sld [smem:$0x3FB7];
	_ =	sdelay $0x3  }
0x34: {  	[smem:$0x3FB7] =	sst s10  }
0x35: {  	s10 =	sld [smem:$0x3FB6];
	_ =	sdelay $0x3  }
0x36: {  	p1 =	seq.s32 s10, $0x1;
	s10 =	sld [smem:$0x3FB7];
	_ =	sdelay $0x3  }
0x37: {  	[smem:$0x3FB7] =	sst s10  }
0x38: {  	s10 =	sld [smem:$0x3FB8]  }
0x39: {  	_ = 	snop;
	(pc) =	sbr.ind lr, $3  }
0x3a: {  	_ = 	snop  }
0x3b: {  	_ = 	snop  }
0x3c: {  	p2 =	seq.s32 s10, $0x1;
	s10 =	sld [smem:$0x3FB7]  }
0x3d: {  	_ =	shalt  }
0x3e: {  	_ =	shalt  }
0x3f: {  	_ =	shalt  }
0x40: {  	_ =	shalt  }
0x41: {  	_ =	shalt  }
0x42: {  	_ =	shalt  }
0x43: {  	_ =	shalt  }
0x44: {  	_ =	shalt  }
0x45: {  	_ =	shalt  }
0x46: {  	_ =	shalt  }
0x47: {  	_ =	shalt  }
0x48: {  	_ =	shalt  }
0x49: {  	_ =	shalt  }
0x4a: {  	_ =	shalt  }
0x4b: {  	_ =	shalt  }
0x4c: {  	_ =	shalt  }
0x4d: {  	_ =	shalt  }
0x4e: {  	_ =	shalt  }
0x4f: {  	_ =	shalt  }
0x50: {  	_ =	shalt  }
0x51: {  	_ =	shalt  }
0x52: {  	_ =	shalt  }
0x53: {  	_ =	shalt  }
0x54: {  	_ =	shalt  }
0x55: {  	_ =	shalt  }
0x56: {  	_ =	shalt  }
0x57: {  	_ =	shalt  }
0x58: {  	_ =	shalt  }
0x59: {  	_ =	shalt  }
0x5a: {  	_ =	shalt  }
0x5b: {  	_ =	shalt  }
0x5c: {  	_ =	shalt  }
0x5d: {  	_ =	shalt  }
0x5e: {  	_ =	shalt  }
0x5f: {  	_ =	shalt  }
0x60: {  	_ =	shalt  }
0x61: {  	_ =	shalt  }
0x62: {  	_ =	shalt  }
0x63: {  	_ =	shalt  }
0x64: {  	_ =	shalt  }
0x65: {  	_ =	shalt  }
0x66: {  	_ =	shalt  }
0x67: {  	_ =	shalt  }
0x68: {  	_ =	shalt  }
0x69: {  	_ =	shalt  }
0x6a: {  	_ =	shalt  }
0x6b: {  	_ =	shalt  }
0x6c: {  	_ =	shalt  }
0x6d: {  	_ =	shalt  }
0x6e: {  	_ =	shalt  }
0x6f: {  	_ =	shalt  }
0x70: {  	_ =	shalt  }
0x71: {  	_ =	shalt  }
0x72: {  	_ =	shalt  }
0x73: {  	_ =	shalt  }
0x74: {  	_ =	shalt  }
0x75: {  	_ =	shalt  }
0x76: {  	_ =	shalt  }
0x77: {  	_ =	shalt  }
0x78: {  	_ =	shalt  }
0x79: {  	_ =	shalt  }
0x7a: {  	_ =	shalt  }
0x7b: {  	_ =	shalt  }
0x7c: {  	_ =	shalt  }
0x7d: {  	_ =	shalt  }
0x7e: {  	_ =	shalt  }
0x7f: {  	_ =	shalt  }
0x80: {  	_ =	shalt  }
0x81: {  	_ =	shalt  }
0x82: {  	_ =	shalt  }
0x83: {  	_ =	shalt  }
0x84: {  	_ =	shalt  }
0x85: {  	_ =	shalt  }
0x86: {  	_ =	shalt  }
0x87: {  	_ =	shalt  }
.Lfunc_end0:
.L_simem_size_0:
called_computation_lowered:
.L_overlay_start_0:
0x88: {  	s2 =	sld [smem:$0x3FD9]  }
0x89: {  	s3 =	sld [smem:$0x3FFE];
	_ =	sdelay $0x1  }
0x8a: {  	s1 =	srdreg.scid  }
0x8b: {  	s0 =	sand.u32 $0x1, s1  }
0x8c: {  	s15 =	sshll.u32 s0, $0xA;
	s2 =	sadd.s32 s3, s2  }
0x8d: {  	s2 =	sadd.s32 s2, s15  }
0x8e: {  	[smem:$0x3FC3] =	sst s2  }
0x8f: {  	_ = 	snop  }
0x90: {  	s2 =	sld [smem:$0x3FC9]  }
0x91: {  	s16 =	sld [smem:$0x3FC8]  }
0x92: {  	s4 =	sld [smem:$0x3FD0]  }
0x93: {  	s5 =	sld [smem:$0x3FC7]  }
0x94: {  	s6 =	sld [smem:$0x3FC6]  }
0x95: {  	s8 =	simm.s32 $0xA;
	s9 =	simm.s32 $0x10;
	s7 =	sld [smem:$0x3FC5]  }
0x96: {  	[smem:s9], [sflag:s8] =	dma.local [hbm:s4], $0x1  }
0x97: {  	_ =	swait.eq [sflag:s8], $0x1  }
0x98: {  	[sflag:s8] =	ssyncset.done $0x0  }
0x99: {  	s17 =	sld [smem:$0x10];
	[sflag:s8] =	ssyncadd.s32 $0xFFFFFFFF  }
0x9a: {  	s18 =	sld [smem:$0x11];
	(tm) =	ssettm $0x1  }
0x9b: {  	s19 =	sld [smem:$0x3FFB];
	_ =	sdelay $0x3  }
0x9c: {  	_ =	strace s19  }
0x9d: {  	s9 =	sld [smem:$0x3FFC];
	_ =	sdelay $0x3  }
0x9e: {  	_ =	strace s9  }
0x9f: {  	s9 =	sld [smem:$0x3FFD];
	_ =	sdelay $0x3  }
0xa0: {  	_ =	strace s9  }
0xa1: {  	_ =	strace $0x8FFFFFFF  }
0xa2: {  	s20 =	sld [smem:$0x3FDB];
	_ =	sdelay $0x1  }
0xa3: {  	s10 =	simm.s32 $_scs_section_size  }
0xa4: {  	s11 =	simm.s32 $_size__tile_overlayer_lowered;
	s12 =	simm.s32 $_tile_overlayer_lowered  }
0xa5: {  	s23 =	simm.s32 $0x1BFF;
	s22 =	sshll.u32 s12, $0x1;
	s9 =	sadd.s32 s10, s20  }
0xa6: {  	s13 =	simm.s32 $0x0;
	s21 =	sshll.u32 s11, $0x1;
	s11 =	sadd.s32 s22, s9  }
0xa7: {  	[timem:s13], [sflag:s23] =	dma.local [hbm:s11], s21  }
0xa8: {  	_ =	swait.ge [sflag:s23], s21  }
0xa9: {  	s10 =	ssub.s32 $0x0, s21;
	[sflag:s23] =	ssyncset.done $0x0  }
0xaa: {  	[sflag:s23] =	ssyncadd.s32 s10;
	_ =	sdelay $0x1  }
0xab: {  	s24 =	simm.s32 $0x1B8B  }
0xac: {  	_ =	swait.ge [sflag:s24], $0x1  }
0xad: {  	[sflag:s24] =	ssyncset.done $0x0  }
0xae: {  	s25 =	simm.s32 $0x1B8E;
	[sflag:s24] =	ssyncadd.s32 $0xFFFFFFFF  }
0xaf: {  	s26 =	simm.s32 $execute0_lowered;
	[smem:$0x3FD2] =	sst s25  }
0xb0: {  	s10 =	sshll.u32 s26, $0x1;
	_ =	strace $0x80000046;
	[dreg:$0x1] =	wrdreg $0xFFFFFFFF  }
0xb1: {  	s28 =	simm.s32 $_size_execute0_lowered;
	s9 =	sadd.s32 s9, s10;
	[dreg:$0x0] =	wrdreg $0x0  }
0xb2: {  	s10 =	sshll.u32 s28, $0x1;
	[dreg:$0x2] =	wrdreg s9  }
0xb3: {  	[dreg:$0x3] =	wrdreg s10  }
0xb4: {  	[dreg:$0x4] =	wrdreg $0xC0  }
0xb5: {  	_ =	task [dreg:s13], $0x5FFFF  }
0xb6: {  	[dreg:$0x1] =	wrdreg $0xFFFFFFFF  }
0xb7: {  	[dreg:$0x0] =	wrdreg $0x60  }
0xb8: {  	[dreg:$0x2] =	wrdreg s2  }
0xb9: {  	[dreg:$0x3] =	wrdreg s16  }
0xba: {  	[dreg:$0x4] =	wrdreg s5  }
0xbb: {  	[dreg:$0x5] =	wrdreg s6  }
0xbc: {  	[dreg:$0x6] =	wrdreg s7  }
0xbd: {  	[dreg:$0x7] =	wrdreg s17  }
0xbe: {  	[dreg:$0x8] =	wrdreg s18  }
0xbf: {  	[dreg:$0x9] =	wrdreg $0x9  }
0xc0: {  	_ =	task.clear_ibuf [dreg:s13], $0xAFFFF;
	_ =	strace $0x90000046  }
0xc1: {  	s29 =	simm.s32 $0x9;
	_ =	strace $0x80000048  }
0xc2: {  	_ =	swait.ge [sflag:s29], $0x1  }
0xc3: {  	[sflag:s29] =	ssyncadd.s32 $0xFFFFFFFF  }
0xc4: {  	_ =	strace $0x90000048  }
0xc5: {  	_ =	sfence  }
0xc6: {  	s30 =	sld [smem:$0x0];
	_ =	sdelay $0x2  }
0xc7: {  	s31 =	sshll.u32 s1, $0xD;
	s1 =	sshrl.u32 s1, $0x2  }
0xc8: {  	s3 =	sand.u32 $0x4000, s31;
	s1 =	sadd.s32 s1, s30  }
0xc9: {  	s0 =	sor.u32 s3, s0;
	s1 =	sshll.u32 s1, $0x11  }
0xca: {  	s0 =	sor.u32 s1, s0  }
0xcb: {  	s0 =	sadd.s32 $0x8F2B, s0  }
0xcc: {  	[sflag:s0] =	ssyncadd.remote.s32 $0x1  }
0xcd: {  	_ =	sfence.sel $0xFFFF  }
0xce: {  	[dreg:$0x0] =	wrdreg $0xFFFFFFFF;
	(pc) =	sbr.abs _section_cstart, $3  }
0xcf: {  	[dreg:$0x1] =	wrdreg $0xFFFFFFFF  }
0xd0: {  	_ =	task.clear_ibuf [dreg:s13], $0x2FFFF;
	_ =	strace $0x9FFFFFFF  }
0xd1: {  	(tm) =	ssettm $0x7FFFFFFF  }
tec
execute0_lowered:
.L_overlay_start_1:
0x0: {  	(tag) =	ssettag $0x1  }
0x1: {  	s0 =	rddreg [dreg:$0x0]  }
0x2: {  	s3 =	rddreg [dreg:$0x1]  }
0x3: {  	s7 =	rddreg [dreg:$0x2]  }
0x4: {  	s1 =	rddreg [dreg:$0x3]  }
0x5: {  	s2 =	rddreg [dreg:$0x4]  }
0x6: {  	s8 =	rddreg [dreg:$0x5]  }
0x7: {  	s9 =	rddreg [dreg:$0x6];
	s4 =	simm.s32 $0x0;
	s5 =	srdreg.scid  }
0x8: {  	s10 =	stileid.u32;
	s12 =	simm.s32 $0x400;
	s13 =	simm.s32 $0x1  }
0x9: {  	s14 =	simm.s32 $0x80;
	s15 =	simm.s32 $0x600;
	s16 =	simm.s32 $0x8600  }
0xa: {  	s17 =	simm.s32 $0x10600;
	s18 =	simm.s32 $0x4600;
	s20 =	simm.s32 $0xC600  }
0xb: {  	s22 =	simm.s32 $0x14600;
	s26 =	simm.s32 $0x2;
	s5 =	sand.u32 $0x1, s5  }
0xc: {  	s19 =	simm.s32 $0x0;
	[smem:$0x7FF] =	sst s4;
	s6 =	ssub.s32 $0x2, s5  }
0xd: {  	s10 =	sshll.u32 s10, $0x7;
	s5 =	sshll.u32 s5, $0x6;
	s11 =	sshrl.u32 s6, $0x1  }
0xe: {  	_ =	strace $0x80000047;
	s10 =	sor.u32 s5, s10;
	s11 =	ssub.s32 s6, s11  }
0xf: {  	s5 =	sadd.s32 s0, s10;
	s6 =	sadd.s32 s3, s10;
	s7 =	sadd.s32 s7, s10  }
0x10: {  	v0 =	vlaneseq.u32;
	s8 =	sadd.s32 s8, s10;
	s9 =	sadd.s32 s9, s10;
	s0 =	simm.s32 $0x3  }
0x11: {  	v1 =	vmul.u32 $0x80, v0;
	s3 =	simm.s32 $0x18800;
	s10 =	smax.u32 s11, $0x1;
	s11 =	simm.s32 $0x200  }
.LBB2_1:
0x12: {  	[tilespmem:s4], [sflag:$0x1] =	stream.linear.gather [hbm4b:s5+s4], $0x200, $0x38;
	[tilespmem:$0x18A00] =	vst v63  }
0x13: {  	_ = 	snop  }
0x14: {  	[tilespmem:s11], [sflag:$0x1] =	stream.linear.gather [hbm4b:s6+s4], $0x200, $0x38;
	[tilespmem:$0x18A00] =	vst v63  }
0x15: {  	_ = 	snop  }
0x16: {  	[tilespmem:s12], [sflag:$0x1] =	stream.linear.gather [hbm4b:s7+s4], $0x200, $0x38;
	[tilespmem:$0x18A00] =	vst v63  }
0x17: {  	_ =	swait.ge [sflag:s13], $0x200  }
0x18: {  	[sflag:s13] =	ssyncset.done $0x0  }
0x19: {  	[sflag:s13] =	ssyncadd.s32 $0xFFFFFE00  }
0x1a: {  	_ =	swait.ge [sflag:s13], $0x200  }
0x1b: {  	[sflag:s13] =	ssyncset.done $0x0  }
0x1c: {  	[sflag:s13] =	ssyncadd.s32 $0xFFFFFE00  }
0x1d: {  	_ =	swait.ge [sflag:s13], $0x200  }
0x1e: {  	[sflag:s13] =	ssyncset.done $0x0  }
0x1f: {  	[sflag:s13] =	ssyncadd.s32 $0xFFFFFE00  }
0x20: {  	[tilespmem:s15], [sflag:$0x1] =	stream.indirect.gather [hbm4b:s1+s14], $0x80, s4, s14, $0xb8;
	[tilespmem:$0x18A00] =	vst v63  }
0x21: {  	_ = 	snop  }
0x22: {  	[tilespmem:s16], [sflag:$0x1] =	stream.indirect.gather [hbm4b:s2+s14], $0x80, s11, s14, $0xb8;
	[tilespmem:$0x18A00] =	vst v63  }
0x23: {  	_ = 	snop  }
0x24: {  	[tilespmem:s17], [sflag:$0x1] =	stream.indirect.gather [hbm4b:s2+s14], $0x80, s12, s14, $0xb8;
	[tilespmem:$0x18A00] =	vst v63  }
0x25: {  	_ = 	snop  }
0x26: {  	[tilespmem:s18], [sflag:$0x2] =	stream.indirect.gather [hbm4b:s1+s14], $0x80, s14, s14, $0xb8;
	[tilespmem:$0x18A00] =	vst v63  }
0x27: {  	s21 =	simm.s32 $0x280  }
0x28: {  	[tilespmem:s20], [sflag:$0x2] =	stream.indirect.gather [hbm4b:s2+s14], $0x80, s21, s14, $0xb8;
	[tilespmem:$0x18A00] =	vst v63  }
0x29: {  	s31 =	simm.s32 $0x480  }
0x2a: {  	[tilespmem:s22], [sflag:$0x2] =	stream.indirect.gather [hbm4b:s2+s14], $0x80, s31, s14, $0xb8;
	[tilespmem:$0x18A00] =	vst v63  }
0x2b: {  	_ =	swait.ge [sflag:s13], $0x4000  }
0x2c: {  	[sflag:s13] =	ssyncset.done $0x0  }
0x2d: {  	[sflag:s13] =	ssyncadd.s32 $0xFFFFC000  }
0x2e: {  	_ =	swait.ge [sflag:s13], $0x4000  }
0x2f: {  	[sflag:s13] =	ssyncset.done $0x0  }
0x30: {  	[sflag:s13] =	ssyncadd.s32 $0xFFFFC000  }
0x31: {  	_ =	swait.ge [sflag:s13], $0x4000  }
0x32: {  	[sflag:s13] =	ssyncset.done $0x0  }
0x33: {  	s21 =	simm.s32 $0x0;
	[sflag:s13] =	ssyncadd.s32 $0xFFFFC000  }
.LBB2_2:
0x34: {  	s23 =	sshll.u32 s21, $0x4  }
0x35: {  	s24 =	simm.s32 $0x2;
	v2 =	vmov s23  }
0x36: {  	v3 =	vadd.s32 s24, v0;
	v2 =	vshll.u32 v2, $0x7  }
0x37: {  	v3 =	vand.u32 $0x7F, v3;
	v2 =	vor.u32 v1, v2  }
0x38: {  	s30 =	simm.s32 $0x0;
	v3 =	vor.u32 v2, v3  }
0x39: {  	v4 =	vadd.s32 s30, v0  }
0x3a: {  	v4 =	vand.u32 $0x7F, v4  }
0x3b: {  	s31 =	simm.s32 $0x5;
	v5 =	vor.u32 v2, v4  }
0x3c: {  	s25 =	simm.s32 $0x3;
	v4 =	vadd.s32 s31, v0  }
0x3d: {  	v6 =	vadd.s32 s25, v0;
	v4 =	vand.u32 $0x7F, v4;
	v8 =	vld.idx.msk [tilespmem:v3+s17+$0x0], $0xffff  }
0x3e: {  	s28 =	simm.s32 $0x1;
	v7 =	vor.u32 v2, v4;
	v4 =	vand.u32 $0x7F, v6;
	v6 =	vld.idx.msk [tilespmem:v3+s15+$0x0], $0xffff  }
0x3f: {  	v10 =	vor.u32 v2, v4;
	v4 =	vadd.s32 s28, v0;
	v9 =	vld.idx.msk [tilespmem:v3+s16+$0x0], $0xffff  }
0x40: {  	v3 =	vand.u32 $0x7F, v4;
	v4 =	vld.idx.msk [tilespmem:v5+s16+$0x0], $0xffff  }
0x41: {  	v12 =	vld.idx.msk [tilespmem:v5+s17+$0x0], $0xffff  }
0x42: {  	v20 =	vld.idx.msk [tilespmem:v5+s15+$0x0], $0xffff  }
0x43: {  	v15 =	vld.idx.msk [tilespmem:v7+s16+$0x0], $0xffff  }
0x44: {  	s29 =	simm.s32 $0x4;
	v11 =	vor.u32 v2, v3;
	v23 =	vld.idx.msk [tilespmem:v7+s15+$0x0], $0xffff  }
0x45: {  	v13 =	vadd.s32 s29, v0;
	v24 =	vld.idx.msk [tilespmem:v7+s17+$0x0], $0xffff  }
0x46: {  	s30 =	simm.s32 $0x6;
	v7 =	vand.u32 $0x7F, v13;
	v3 =	vld.idx.msk [tilespmem:v10+s15+$0x0], $0xffff  }
0x47: {  	v18 =	vimm.f32 $0.0e+00;
	s31 =	simm.s32 $0x7;
	v13 =	vadd.s32 s30, v0;
	v27 =	vor.u32 v2, v7;
	v14 =	vld.idx.msk [tilespmem:v10+s16+$0x0], $0xffff  }
0x48: {  	v5 =	vimm.f32 $0.0e+00;
	v7 =	vadd.s32 s31, v0;
	v13 =	vand.u32 $0x7F, v13;
	v19 =	vld.idx.msk [tilespmem:v10+s17+$0x0], $0xffff  }
0x49: {  	v10 =	vimm.f32 $0.0e+00;
	v7 =	vand.u32 $0x7F, v7;
	v13 =	vor.u32 v2, v13;
	v26 =	vld.idx.msk [tilespmem:v11+s16+$0x0], $0xffff  }
0x4a: {  	v9 =	vmul.f32 v9, v6;
	v25 =	vmul.f32 v8, v6;
	v16 =	vor.u32 v2, v7;
	v22 =	vld.idx.msk [tilespmem:v11+s15+$0x0], $0xffff  }
0x4b: {  	v8 =	vimm.f32 $0.0e+00;
	v6 =	vimm.f32 $0.0e+00;
	v7 =	vimm.f32 $0.0e+00;
	v17 =	vld.idx.msk [tilespmem:v11+s17+$0x0], $0xffff  }
0x4c: {  	s24 =	simm.s32 $0xF;
	v11 =	vimm.f32 $0.0e+00;
	v21 =	vmul.f32 v15, v23;
	v9 =	vadd.f32 v9, v18;
	v15 =	vld.idx.msk [tilespmem:v27+s16+$0x0], $0xffff  }
.LBB2_3:
0x4d: {  	s28 =	sadd.s32 $0xFFFFFFFB, s24  }
0x4e: {  	s29 =	sadd.s32 $0xFFFFFFFC, s24;
	s30 =	sadd.s32 $0xFFFFFFFF, s24;
	v28 =	vadd.s32 s24, v0;
	v18 =	vadd.f32 v25, v18;
	v25 =	vld.idx.msk [tilespmem:v27+s15+$0x0], $0xffff;
	v23 =	vmul.f32 v24, v23;
	s25 =	smov.u32 s24  }
0x4f: {  	v26 =	vmul.f32 v26, v22;
	s31 =	sadd.s32 $0xFFFFFFF9, s25;
	v24 =	vadd.s32 s28, v0;
	v29 =	vadd.s32 s29, v0;
	s29 =	sadd.s32 $0xFFFFFFFE, s25;
	s28 =	sadd.s32 $0x8, s24;
	v27 =	vld.idx.msk [tilespmem:v27+s17+$0x0], $0xffff  }
0x50: {  	p0 =	sne.s32 s24, $0x7F;
	v12 =	vmul.f32 v12, v20;
	v30 =	vadd.s32 s31, v0;
	v24 =	vand.u32 $0x7F, v24;
	v31 =	vld.idx.msk [tilespmem:v13+s17+$0x0], $0xffff  }
0x51: {  	s24 =	sadd.s32 $0xFFFFFFFA, s25;
	v28 =	vand.u32 $0x7F, v28;
	v30 =	vand.u32 $0x7F, v30;
	v24 =	vor.u32 v2, v24;
	v32 =	vld.idx.msk [tilespmem:v13+s16+$0x0], $0xffff  }
0x52: {  	v17 =	vmul.f32 v17, v22;
	v33 =	vadd.s32 s24, v0;
	v30 =	vor.u32 v2, v30;
	v22 =	vld.idx.msk [tilespmem:v13+s15+$0x0], $0xffff  }
0x53: {  	v10 =	vadd.f32 v26, v10;
	v13 =	vand.u32 $0x7F, v33;
	v33 =	vadd.s32 s29, v0;
	v26 =	vld.idx.msk [tilespmem:v16+s15+$0x0], $0xffff  }
0x54: {  	v20 =	vmul.f32 v4, v20;
	v34 =	vor.u32 v2, v13;
	v13 =	vand.u32 $0x7F, v33;
	v33 =	vld.idx.msk [tilespmem:v16+s16+$0x0], $0xffff  }
0x55: {  	v4 =	vadd.s32 s30, v0;
	v10 =	vadd.f32 v21, v10;
	v35 =	vor.u32 v2, v13;
	v16 =	vld.idx.msk [tilespmem:v16+s17+$0x0], $0xffff  }
0x56: {  	v4 =	vand.u32 $0x7F, v4;
	v19 =	vmul.f32 v19, v3;
	v13 =	vand.u32 $0x7F, v29;
	v21 =	vld.idx.msk [tilespmem:v24+s17+$0x0], $0xffff  }
0x57: {  	v27 =	vmul.f32 v27, v25;
	v36 =	vor.u32 v2, v13;
	v13 =	vor.u32 v2, v4;
	v29 =	vld.idx.msk [tilespmem:v24+s15+$0x0], $0xffff  }
0x58: {  	v8 =	vadd.f32 v17, v8;
	v14 =	vmul.f32 v14, v3;
	v3 =	vmul.f32 v31, v22;
	v37 =	vld.idx.msk [tilespmem:v24+s16+$0x0], $0xffff  }
0x59: {  	v11 =	vadd.f32 v20, v11;
	v6 =	vadd.f32 v12, v6;
	v17 =	vmul.f32 v32, v22;
	v4 =	vld.idx.msk [tilespmem:v30+s16+$0x0], $0xffff  }
0x5a: {  	v8 =	vadd.f32 v23, v8;
	v15 =	vmul.f32 v15, v25;
	v18 =	vadd.f32 v3, v18;
	v12 =	vld.idx.msk [tilespmem:v30+s17+$0x0], $0xffff  }
0x5b: {  	v5 =	vadd.f32 v19, v5;
	v6 =	vadd.f32 v27, v6;
	v16 =	vmul.f32 v16, v26;
	v31 =	vld.idx.msk [tilespmem:v35+s16+$0x0], $0xffff  }
0x5c: {  	v7 =	vadd.f32 v14, v7;
	v9 =	vadd.f32 v17, v9;
	v14 =	vmul.f32 v33, v26;
	v3 =	vld.idx.msk [tilespmem:v36+s15+$0x0], $0xffff  }
0x5d: {  	s24 =	sadd.s32 $0xFFFFFFFD, s25;
	v11 =	vadd.f32 v15, v11;
	v25 =	vmul.f32 v21, v29;
	v5 =	vadd.f32 v16, v5;
	v23 =	vld.idx.msk [tilespmem:v35+s15+$0x0], $0xffff  }
0x5e: {  	v15 =	vadd.s32 s24, v0;
	v7 =	vadd.f32 v14, v7;
	v16 =	vor.u32 v2, v28;
	v24 =	vld.idx.msk [tilespmem:v35+s17+$0x0], $0xffff  }
0x5f: {  	v14 =	vand.u32 $0x7F, v15;
	v17 =	vld.idx.msk [tilespmem:v34+s17+$0x0], $0xffff  }
0x60: {  	v27 =	vor.u32 v2, v14;
	v26 =	vld.idx.msk [tilespmem:v34+s16+$0x0], $0xffff  }
.Ltmp0:
0x61: {  	v22 =	vld.idx.msk [tilespmem:v34+s15+$0x0], $0xffff;
	(pc) =	sbr.rel @p0 .LBB2_3-.Ltmp0, $4  }
0x62: {  	v15 =	vmul.f32 v37, v29;
	v20 =	vld.idx.msk [tilespmem:v30+s15+$0x0], $0xffff  }
0x63: {  	v21 =	vmul.f32 v31, v23;
	v14 =	vld.idx.msk [tilespmem:v36+s16+$0x0], $0xffff  }
0x64: {  	v9 =	vadd.f32 v15, v9;
	v19 =	vld.idx.msk [tilespmem:v36+s17+$0x0], $0xffff  }
0x65: {  	s24 =	smov.u32 s28;
	v15 =	vld.idx.msk [tilespmem:v27+s16+$0x0], $0xffff  }
0x66: {  	_ =	sdelay $0x3  }
0x67: {  	v2 =	vld.idx.msk [tilespmem:v27+s15+$0x0], $0xffff  }
0x68: {  	v52 =	vld.idx.msk [tilespmem:v27+s17+$0x0], $0xffff  }
0x69: {  	v28 =	vld.idx.msk [tilespmem:v13+s17+$0x0], $0xffff  }
0x6a: {  	v29 =	vld.idx.msk [tilespmem:v13+s16+$0x0], $0xffff  }
0x6b: {  	v26 =	vmul.f32 v26, v22;
	v53 =	vld.idx.msk [tilespmem:v13+s15+$0x0], $0xffff  }
0x6c: {  	v23 =	vmul.f32 v24, v23;
	v54 =	vld.idx.msk [tilespmem:v16+s15+$0x0], $0xffff;
	v17 =	vmul.f32 v17, v22  }
0x6d: {  	v18 =	vadd.f32 v25, v18;
	v55 =	vld.idx.msk [tilespmem:v16+s16+$0x0], $0xffff;
	v12 =	vmul.f32 v12, v20;
	v4 =	vmul.f32 v4, v20  }
0x6e: {  	v56 =	vld.idx.msk [tilespmem:v16+s17+$0x0], $0xffff;
	v10 =	vadd.f32 v26, v10;
	v8 =	vadd.f32 v17, v8;
	v19 =	vmul.f32 v19, v3  }
0x6f: {  	v3 =	vmul.f32 v14, v3;
	v4 =	vadd.f32 v4, v11;
	v6 =	vadd.f32 v12, v6  }
0x70: {  	v10 =	vadd.f32 v21, v10;
	v57 =	vmul.f32 v52, v2;
	v58 =	vmul.f32 v28, v53  }
0x71: {  	v8 =	vadd.f32 v23, v8;
	v59 =	vmul.f32 v29, v53;
	v2 =	vmul.f32 v15, v2  }
0x72: {  	v3 =	vadd.f32 v3, v7;
	v61 =	vmul.f32 v55, v54;
	v5 =	vadd.f32 v19, v5  }
0x73: {  	v62 =	vmul.f32 v56, v54;
	v60 =	vadd.f32 v58, v18;
	v9 =	vadd.f32 v59, v9  }
0x74: {  	v2 =	vadd.f32 v2, v4;
	v3 =	vadd.f32 v61, v3  }
0x75: {  	s21 =	sadd.s32 $0x1, s21;
	v63 =	vadd.f32 v57, v6;
	v5 =	vadd.f32 v62, v5  }
0x76: {  	p0 =	sne.s32 s21, $0x8;
	v2 =	vadd.f32 v10, v2;
	v3 =	vadd.f32 v3, v9  }
.Ltmp1:
0x77: {  	v4 =	vadd.f32 v8, v63;
	v5 =	vadd.f32 v5, v60;
	(pc) =	sbr.rel @p0 .LBB2_2-.Ltmp1, $4  }
0x78: {  	v2 =	vadd.f32 v3, v2  }
0x79: {  	v3 =	vadd.f32 v5, v4  }
0x7a: {  	[tilespmem:s23+$0x18600] =	vst v2  }
0x7b: {  	[tilespmem:s23+$0x18800] =	vst v3  }
0x7c: {  	s21 =	simm.s32 $0x100  }
0x7d: {  	[tilespmem:s15], [sflag:$0x1] =	stream.indirect.gather [hbm4b:s1+s14], $0x80, s21, s14, $0xb8;
	[tilespmem:$0x18A00] =	vst v63  }
0x7e: {  	s30 =	simm.s32 $0x300  }
0x7f: {  	[tilespmem:s16], [sflag:$0x1] =	stream.indirect.gather [hbm4b:s2+s14], $0x80, s30, s14, $0xb8;
	[tilespmem:$0x18A00] =	vst v63  }
0x80: {  	s31 =	simm.s32 $0x500  }
0x81: {  	[tilespmem:s17], [sflag:$0x1] =	stream.indirect.gather [hbm4b:s2+s14], $0x80, s31, s14, $0xb8;
	[tilespmem:$0x18A00] =	vst v63  }
0x82: {  	_ =	swait.ge [sflag:s26], $0x4000  }
0x83: {  	[sflag:s26] =	ssyncset.done $0x0  }
0x84: {  	[sflag:s26] =	ssyncadd.s32 $0xFFFFC000  }
0x85: {  	_ =	swait.ge [sflag:s26], $0x4000  }
0x86: {  	[sflag:s26] =	ssyncset.done $0x0  }
0x87: {  	[sflag:s26] =	ssyncadd.s32 $0xFFFFC000  }
0x88: {  	_ =	swait.ge [sflag:s26], $0x4000  }
0x89: {  	[sflag:s26] =	ssyncset.done $0x0  }
0x8a: {  	s21 =	simm.s32 $0x0;
	[sflag:s26] =	ssyncadd.s32 $0xFFFFC000  }
.LBB2_6:
0x8b: {  	s23 =	sshll.u32 s21, $0x4  }
0x8c: {  	s23 =	sadd.s32 $0x80, s23  }
0x8d: {  	s24 =	simm.s32 $0x2;
	v2 =	vmov s23  }
0x8e: {  	v3 =	vadd.s32 s24, v0;
	v2 =	vshll.u32 v2, $0x7  }
0x8f: {  	v3 =	vand.u32 $0x7F, v3;
	v2 =	vor.u32 v1, v2  }
0x90: {  	s30 =	simm.s32 $0x0;
	v3 =	vor.u32 v2, v3  }
0x91: {  	v4 =	vadd.s32 s30, v0  }
0x92: {  	v4 =	vand.u32 $0x7F, v4  }
0x93: {  	s31 =	simm.s32 $0x5;
	v5 =	vor.u32 v2, v4  }
0x94: {  	s25 =	simm.s32 $0x3;
	v4 =	vadd.s32 s31, v0  }
0x95: {  	v6 =	vadd.s32 s25, v0;
	v4 =	vand.u32 $0x7F, v4;
	v8 =	vld.idx.msk [tilespmem:v3+s17+$0x0], $0xffff  }
0x96: {  	s25 =	simm.s32 $0x1;
	v7 =	vor.u32 v2, v4;
	v4 =	vand.u32 $0x7F, v6;
	v6 =	vld.idx.msk [tilespmem:v3+s15+$0x0], $0xffff  }
0x97: {  	v10 =	vor.u32 v2, v4;
	v4 =	vadd.s32 s25, v0;
	v9 =	vld.idx.msk [tilespmem:v3+s16+$0x0], $0xffff  }
0x98: {  	v3 =	vand.u32 $0x7F, v4;
	v4 =	vld.idx.msk [tilespmem:v5+s16+$0x0], $0xffff  }
0x99: {  	v12 =	vld.idx.msk [tilespmem:v5+s17+$0x0], $0xffff  }
0x9a: {  	v20 =	vld.idx.msk [tilespmem:v5+s15+$0x0], $0xffff  }
0x9b: {  	v15 =	vld.idx.msk [tilespmem:v7+s16+$0x0], $0xffff  }
0x9c: {  	s29 =	simm.s32 $0x4;
	v11 =	vor.u32 v2, v3;
	v23 =	vld.idx.msk [tilespmem:v7+s15+$0x0], $0xffff  }
0x9d: {  	v13 =	vadd.s32 s29, v0;
	v24 =	vld.idx.msk [tilespmem:v7+s17+$0x0], $0xffff  }
0x9e: {  	s30 =	simm.s32 $0x6;
	v7 =	vand.u32 $0x7F, v13;
	v3 =	vld.idx.msk [tilespmem:v10+s15+$0x0], $0xffff  }
0x9f: {  	v18 =	vimm.f32 $0.0e+00;
	s31 =	simm.s32 $0x7;
	v13 =	vadd.s32 s30, v0;
	v27 =	vor.u32 v2, v7;
	v14 =	vld.idx.msk [tilespmem:v10+s16+$0x0], $0xffff  }
0xa0: {  	v5 =	vimm.f32 $0.0e+00;
	v7 =	vadd.s32 s31, v0;
	v13 =	vand.u32 $0x7F, v13;
	v19 =	vld.idx.msk [tilespmem:v10+s17+$0x0], $0xffff  }
0xa1: {  	v10 =	vimm.f32 $0.0e+00;
	v7 =	vand.u32 $0x7F, v7;
	v13 =	vor.u32 v2, v13;
	v26 =	vld.idx.msk [tilespmem:v11+s16+$0x0], $0xffff  }
0xa2: {  	v9 =	vmul.f32 v9, v6;
	v25 =	vmul.f32 v8, v6;
	v16 =	vor.u32 v2, v7;
	v22 =	vld.idx.msk [tilespmem:v11+s15+$0x0], $0xffff  }
0xa3: {  	v8 =	vimm.f32 $0.0e+00;
	v6 =	vimm.f32 $0.0e+00;
	v7 =	vimm.f32 $0.0e+00;
	v17 =	vld.idx.msk [tilespmem:v11+s17+$0x0], $0xffff  }
0xa4: {  	s28 =	simm.s32 $0xF;
	v11 =	vimm.f32 $0.0e+00;
	v21 =	vmul.f32 v15, v23;
	v9 =	vadd.f32 v9, v18;
	v15 =	vld.idx.msk [tilespmem:v27+s16+$0x0], $0xffff  }
.LBB2_7:
0xa5: {  	s24 =	sadd.s32 $0xFFFFFFFB, s28  }
0xa6: {  	s29 =	sadd.s32 $0xFFFFFFFC, s28;
	s30 =	sadd.s32 $0xFFFFFFFF, s28;
	v28 =	vadd.s32 s28, v0;
	v18 =	vadd.f32 v25, v18;
	v25 =	vld.idx.msk [tilespmem:v27+s15+$0x0], $0xffff;
	v23 =	vmul.f32 v24, v23;
	s25 =	smov.u32 s28  }
0xa7: {  	v26 =	vmul.f32 v26, v22;
	s31 =	sadd.s32 $0xFFFFFFF9, s25;
	v24 =	vadd.s32 s24, v0;
	v29 =	vadd.s32 s29, v0;
	s29 =	sadd.s32 $0xFFFFFFFE, s25;
	s24 =	sadd.s32 $0x8, s28;
	v27 =	vld.idx.msk [tilespmem:v27+s17+$0x0], $0xffff  }
0xa8: {  	p0 =	sne.s32 s28, $0x7F;
	v12 =	vmul.f32 v12, v20;
	v30 =	vadd.s32 s31, v0;
	v24 =	vand.u32 $0x7F, v24;
	v31 =	vld.idx.msk [tilespmem:v13+s17+$0x0], $0xffff  }
0xa9: {  	s28 =	sadd.s32 $0xFFFFFFFA, s25;
	v28 =	vand.u32 $0x7F, v28;
	v30 =	vand.u32 $0x7F, v30;
	v24 =	vor.u32 v2, v24;
	v32 =	vld.idx.msk [tilespmem:v13+s16+$0x0], $0xffff  }
0xaa: {  	v17 =	vmul.f32 v17, v22;
	v33 =	vadd.s32 s28, v0;
	v30 =	vor.u32 v2, v30;
	v22 =	vld.idx.msk [tilespmem:v13+s15+$0x0], $0xffff  }
0xab: {  	v10 =	vadd.f32 v26, v10;
	v13 =	vand.u32 $0x7F, v33;
	v33 =	vadd.s32 s29, v0;
	v26 =	vld.idx.msk [tilespmem:v16+s15+$0x0], $0xffff  }
0xac: {  	v20 =	vmul.f32 v4, v20;
	v34 =	vor.u32 v2, v13;
	v13 =	vand.u32 $0x7F, v33;
	v33 =	vld.idx.msk [tilespmem:v16+s16+$0x0], $0xffff  }
0xad: {  	v4 =	vadd.s32 s30, v0;
	v10 =	vadd.f32 v21, v10;
	v35 =	vor.u32 v2, v13;
	v16 =	vld.idx.msk [tilespmem:v16+s17+$0x0], $0xffff  }
0xae: {  	v4 =	vand.u32 $0x7F, v4;
	v19 =	vmul.f32 v19, v3;
	v13 =	vand.u32 $0x7F, v29;
	v21 =	vld.idx.msk [tilespmem:v24+s17+$0x0], $0xffff  }
0xaf: {  	v27 =	vmul.f32 v27, v25;
	v36 =	vor.u32 v2, v13;
	v13 =	vor.u32 v2, v4;
	v29 =	vld.idx.msk [tilespmem:v24+s15+$0x0], $0xffff  }
0xb0: {  	v8 =	vadd.f32 v17, v8;
	v14 =	vmul.f32 v14, v3;
	v3 =	vmul.f32 v31, v22;
	v37 =	vld.idx.msk [tilespmem:v24+s16+$0x0], $0xffff  }
0xb1: {  	v11 =	vadd.f32 v20, v11;
	v6 =	vadd.f32 v12, v6;
	v17 =	vmul.f32 v32, v22;
	v4 =	vld.idx.msk [tilespmem:v30+s16+$0x0], $0xffff  }
0xb2: {  	v8 =	vadd.f32 v23, v8;
	v15 =	vmul.f32 v15, v25;
	v18 =	vadd.f32 v3, v18;
	v12 =	vld.idx.msk [tilespmem:v30+s17+$0x0], $0xffff  }
0xb3: {  	v5 =	vadd.f32 v19, v5;
	v6 =	vadd.f32 v27, v6;
	v16 =	vmul.f32 v16, v26;
	v31 =	vld.idx.msk [tilespmem:v35+s16+$0x0], $0xffff  }
0xb4: {  	v7 =	vadd.f32 v14, v7;
	v9 =	vadd.f32 v17, v9;
	v14 =	vmul.f32 v33, v26;
	v3 =	vld.idx.msk [tilespmem:v36+s15+$0x0], $0xffff  }
0xb5: {  	s25 =	sadd.s32 $0xFFFFFFFD, s25;
	v11 =	vadd.f32 v15, v11;
	v25 =	vmul.f32 v21, v29;
	v5 =	vadd.f32 v16, v5;
	v23 =	vld.idx.msk [tilespmem:v35+s15+$0x0], $0xffff  }
0xb6: {  	v15 =	vadd.s32 s25, v0;
	v7 =	vadd.f32 v14, v7;
	v16 =	vor.u32 v2, v28;
	v24 =	vld.idx.msk [tilespmem:v35+s17+$0x0], $0xffff  }
0xb7: {  	v14 =	vand.u32 $0x7F, v15;
	v17 =	vld.idx.msk [tilespmem:v34+s17+$0x0], $0xffff  }
0xb8: {  	v27 =	vor.u32 v2, v14;
	v26 =	vld.idx.msk [tilespmem:v34+s16+$0x0], $0xffff  }
.Ltmp2:
0xb9: {  	v22 =	vld.idx.msk [tilespmem:v34+s15+$0x0], $0xffff;
	(pc) =	sbr.rel @p0 .LBB2_7-.Ltmp2, $4  }
0xba: {  	v15 =	vmul.f32 v37, v29;
	v20 =	vld.idx.msk [tilespmem:v30+s15+$0x0], $0xffff  }
0xbb: {  	v21 =	vmul.f32 v31, v23;
	v14 =	vld.idx.msk [tilespmem:v36+s16+$0x0], $0xffff  }
0xbc: {  	v9 =	vadd.f32 v15, v9;
	v19 =	vld.idx.msk [tilespmem:v36+s17+$0x0], $0xffff  }
0xbd: {  	s28 =	smov.u32 s24;
	v15 =	vld.idx.msk [tilespmem:v27+s16+$0x0], $0xffff  }
0xbe: {  	_ =	sdelay $0x3  }
0xbf: {  	v2 =	vld.idx.msk [tilespmem:v27+s15+$0x0], $0xffff  }
0xc0: {  	v52 =	vld.idx.msk [tilespmem:v27+s17+$0x0], $0xffff  }
0xc1: {  	v28 =	vld.idx.msk [tilespmem:v13+s17+$0x0], $0xffff  }
0xc2: {  	v29 =	vld.idx.msk [tilespmem:v13+s16+$0x0], $0xffff  }
0xc3: {  	v26 =	vmul.f32 v26, v22;
	v53 =	vld.idx.msk [tilespmem:v13+s15+$0x0], $0xffff  }
0xc4: {  	v23 =	vmul.f32 v24, v23;
	v54 =	vld.idx.msk [tilespmem:v16+s15+$0x0], $0xffff;
	v17 =	vmul.f32 v17, v22  }
0xc5: {  	v18 =	vadd.f32 v25, v18;
	v55 =	vld.idx.msk [tilespmem:v16+s16+$0x0], $0xffff;
	v12 =	vmul.f32 v12, v20;
	v4 =	vmul.f32 v4, v20  }
0xc6: {  	v56 =	vld.idx.msk [tilespmem:v16+s17+$0x0], $0xffff;
	v10 =	vadd.f32 v26, v10;
	v8 =	vadd.f32 v17, v8;
	v19 =	vmul.f32 v19, v3  }
0xc7: {  	v3 =	vmul.f32 v14, v3;
	v4 =	vadd.f32 v4, v11;
	v6 =	vadd.f32 v12, v6  }
0xc8: {  	v10 =	vadd.f32 v21, v10;
	v57 =	vmul.f32 v52, v2;
	v58 =	vmul.f32 v28, v53  }
0xc9: {  	v8 =	vadd.f32 v23, v8;
	v59 =	vmul.f32 v29, v53;
	v2 =	vmul.f32 v15, v2  }
0xca: {  	v3 =	vadd.f32 v3, v7;
	v61 =	vmul.f32 v55, v54;
	v5 =	vadd.f32 v19, v5  }
0xcb: {  	v62 =	vmul.f32 v56, v54;
	v60 =	vadd.f32 v58, v18;
	v9 =	vadd.f32 v59, v9  }
0xcc: {  	v2 =	vadd.f32 v2, v4;
	v3 =	vadd.f32 v61, v3  }
0xcd: {  	s21 =	sadd.s32 $0x1, s21;
	v63 =	vadd.f32 v57, v6;
	v5 =	vadd.f32 v62, v5  }
0xce: {  	p0 =	sne.s32 s21, $0x8;
	v2 =	vadd.f32 v10, v2;
	v3 =	vadd.f32 v3, v9  }
.Ltmp3:
0xcf: {  	v4 =	vadd.f32 v8, v63;
	v5 =	vadd.f32 v5, v60;
	(pc) =	sbr.rel @p0 .LBB2_6-.Ltmp3, $4  }
0xd0: {  	v2 =	vadd.f32 v3, v2  }
0xd1: {  	v3 =	vadd.f32 v5, v4  }
0xd2: {  	[tilespmem:s23+$0x18600] =	vst v2  }
0xd3: {  	[tilespmem:s23+$0x18800] =	vst v3  }
0xd4: {  	s21 =	simm.s32 $0x180  }
0xd5: {  	[tilespmem:s18], [sflag:$0x2] =	stream.indirect.gather [hbm4b:s1+s14], $0x80, s21, s14, $0xb8;
	[tilespmem:$0x18A00] =	vst v63  }
0xd6: {  	s30 =	simm.s32 $0x380  }
0xd7: {  	[tilespmem:s20], [sflag:$0x2] =	stream.indirect.gather [hbm4b:s2+s14], $0x80, s30, s14, $0xb8;
	[tilespmem:$0x18A00] =	vst v63  }
0xd8: {  	s31 =	simm.s32 $0x580  }
0xd9: {  	[tilespmem:s22], [sflag:$0x2] =	stream.indirect.gather [hbm4b:s2+s14], $0x80, s31, s14, $0xb8;
	[tilespmem:$0x18A00] =	vst v63  }
0xda: {  	_ =	swait.ge [sflag:s13], $0x4000  }
0xdb: {  	[sflag:s13] =	ssyncset.done $0x0  }
0xdc: {  	[sflag:s13] =	ssyncadd.s32 $0xFFFFC000  }
0xdd: {  	_ =	swait.ge [sflag:s13], $0x4000  }
0xde: {  	[sflag:s13] =	ssyncset.done $0x0  }
0xdf: {  	[sflag:s13] =	ssyncadd.s32 $0xFFFFC000  }
0xe0: {  	_ =	swait.ge [sflag:s13], $0x4000  }
0xe1: {  	[sflag:s13] =	ssyncset.done $0x0  }
0xe2: {  	s21 =	simm.s32 $0x0;
	[sflag:s13] =	ssyncadd.s32 $0xFFFFC000  }
.LBB2_10:
0xe3: {  	s23 =	sshll.u32 s21, $0x4  }
0xe4: {  	s24 =	simm.s32 $0x2;
	v2 =	vmov s23  }
0xe5: {  	v3 =	vadd.s32 s24, v0;
	v2 =	vshll.u32 v2, $0x7  }
0xe6: {  	v3 =	vand.u32 $0x7F, v3;
	v2 =	vor.u32 v1, v2  }
0xe7: {  	s30 =	simm.s32 $0x0;
	v3 =	vor.u32 v2, v3  }
0xe8: {  	v4 =	vadd.s32 s30, v0  }
0xe9: {  	v4 =	vand.u32 $0x7F, v4  }
0xea: {  	s31 =	simm.s32 $0x5;
	v5 =	vor.u32 v2, v4  }
0xeb: {  	s25 =	simm.s32 $0x3;
	v4 =	vadd.s32 s31, v0  }
0xec: {  	v6 =	vadd.s32 s25, v0;
	v4 =	vand.u32 $0x7F, v4;
	v8 =	vld.idx.msk [tilespmem:v3+s17+$0x0], $0xffff  }
0xed: {  	s25 =	simm.s32 $0x1;
	v7 =	vor.u32 v2, v4;
	v4 =	vand.u32 $0x7F, v6;
	v6 =	vld.idx.msk [tilespmem:v3+s15+$0x0], $0xffff  }
0xee: {  	v10 =	vor.u32 v2, v4;
	v4 =	vadd.s32 s25, v0;
	v9 =	vld.idx.msk [tilespmem:v3+s16+$0x0], $0xffff  }
0xef: {  	v3 =	vand.u32 $0x7F, v4;
	v4 =	vld.idx.msk [tilespmem:v5+s16+$0x0], $0xffff  }
0xf0: {  	v12 =	vld.idx.msk [tilespmem:v5+s17+$0x0], $0xffff  }
0xf1: {  	v20 =	vld.idx.msk [tilespmem:v5+s15+$0x0], $0xffff  }
0xf2: {  	v15 =	vld.idx.msk [tilespmem:v7+s16+$0x0], $0xffff  }
0xf3: {  	s29 =	simm.s32 $0x4;
	v11 =	vor.u32 v2, v3;
	v23 =	vld.idx.msk [tilespmem:v7+s15+$0x0], $0xffff  }
0xf4: {  	v13 =	vadd.s32 s29, v0;
	v24 =	vld.idx.msk [tilespmem:v7+s17+$0x0], $0xffff  }
0xf5: {  	s30 =	simm.s32 $0x6;
	v7 =	vand.u32 $0x7F, v13;
	v3 =	vld.idx.msk [tilespmem:v10+s15+$0x0], $0xffff  }
0xf6: {  	v18 =	vimm.f32 $0.0e+00;
	s31 =	simm.s32 $0x7;
	v13 =	vadd.s32 s30, v0;
	v27 =	vor.u32 v2, v7;
	v14 =	vld.idx.msk [tilespmem:v10+s16+$0x0], $0xffff  }
0xf7: {  	v5 =	vimm.f32 $0.0e+00;
	v7 =	vadd.s32 s31, v0;
	v13 =	vand.u32 $0x7F, v13;
	v19 =	vld.idx.msk [tilespmem:v10+s17+$0x0], $0xffff  }
0xf8: {  	v10 =	vimm.f32 $0.0e+00;
	v7 =	vand.u32 $0x7F, v7;
	v13 =	vor.u32 v2, v13;
	v26 =	vld.idx.msk [tilespmem:v11+s16+$0x0], $0xffff  }
0xf9: {  	v9 =	vmul.f32 v9, v6;
	v25 =	vmul.f32 v8, v6;
	v16 =	vor.u32 v2, v7;
	v22 =	vld.idx.msk [tilespmem:v11+s15+$0x0], $0xffff  }
0xfa: {  	v8 =	vimm.f32 $0.0e+00;
	v6 =	vimm.f32 $0.0e+00;
	v7 =	vimm.f32 $0.0e+00;
	v17 =	vld.idx.msk [tilespmem:v11+s17+$0x0], $0xffff  }
0xfb: {  	s28 =	simm.s32 $0xF;
	v11 =	vimm.f32 $0.0e+00;
	v21 =	vmul.f32 v15, v23;
	v9 =	vadd.f32 v9, v18;
	v15 =	vld.idx.msk [tilespmem:v27+s16+$0x0], $0xffff  }
.LBB2_11:
0xfc: {  	s24 =	sadd.s32 $0xFFFFFFFB, s28  }
0xfd: {  	s29 =	sadd.s32 $0xFFFFFFFC, s28;
	s30 =	sadd.s32 $0xFFFFFFFF, s28;
	v28 =	vadd.s32 s28, v0;
	v18 =	vadd.f32 v25, v18;
	v25 =	vld.idx.msk [tilespmem:v27+s15+$0x0], $0xffff;
	v23 =	vmul.f32 v24, v23;
	s25 =	smov.u32 s28  }
0xfe: {  	v26 =	vmul.f32 v26, v22;
	s31 =	sadd.s32 $0xFFFFFFF9, s25;
	v24 =	vadd.s32 s24, v0;
	v29 =	vadd.s32 s29, v0;
	s29 =	sadd.s32 $0xFFFFFFFE, s25;
	s24 =	sadd.s32 $0x8, s28;
	v27 =	vld.idx.msk [tilespmem:v27+s17+$0x0], $0xffff  }
0xff: {  	p0 =	sne.s32 s28, $0x7F;
	v12 =	vmul.f32 v12, v20;
	v30 =	vadd.s32 s31, v0;
	v24 =	vand.u32 $0x7F, v24;
	v31 =	vld.idx.msk [tilespmem:v13+s17+$0x0], $0xffff  }
0x100: {  	s28 =	sadd.s32 $0xFFFFFFFA, s25;
	v28 =	vand.u32 $0x7F, v28;
	v30 =	vand.u32 $0x7F, v30;
	v24 =	vor.u32 v2, v24;
	v32 =	vld.idx.msk [tilespmem:v13+s16+$0x0], $0xffff  }
0x101: {  	v17 =	vmul.f32 v17, v22;
	v33 =	vadd.s32 s28, v0;
	v30 =	vor.u32 v2, v30;
	v22 =	vld.idx.msk [tilespmem:v13+s15+$0x0], $0xffff  }
0x102: {  	v10 =	vadd.f32 v26, v10;
	v13 =	vand.u32 $0x7F, v33;
	v33 =	vadd.s32 s29, v0;
	v26 =	vld.idx.msk [tilespmem:v16+s15+$0x0], $0xffff  }
0x103: {  	v20 =	vmul.f32 v4, v20;
	v34 =	vor.u32 v2, v13;
	v13 =	vand.u32 $0x7F, v33;
	v33 =	vld.idx.msk [tilespmem:v16+s16+$0x0], $0xffff  }
0x104: {  	v4 =	vadd.s32 s30, v0;
	v10 =	vadd.f32 v21, v10;
	v35 =	vor.u32 v2, v13;
	v16 =	vld.idx.msk [tilespmem:v16+s17+$0x0], $0xffff  }
0x105: {  	v4 =	vand.u32 $0x7F, v4;
	v19 =	vmul.f32 v19, v3;
	v13 =	vand.u32 $0x7F, v29;
	v21 =	vld.idx.msk [tilespmem:v24+s17+$0x0], $0xffff  }
0x106: {  	v27 =	vmul.f32 v27, v25;
	v36 =	vor.u32 v2, v13;
	v13 =	vor.u32 v2, v4;
	v29 =	vld.idx.msk [tilespmem:v24+s15+$0x0], $0xffff  }
0x107: {  	v8 =	vadd.f32 v17, v8;
	v14 =	vmul.f32 v14, v3;
	v3 =	vmul.f32 v31, v22;
	v37 =	vld.idx.msk [tilespmem:v24+s16+$0x0], $0xffff  }
0x108: {  	v11 =	vadd.f32 v20, v11;
	v6 =	vadd.f32 v12, v6;
	v17 =	vmul.f32 v32, v22;
	v4 =	vld.idx.msk [tilespmem:v30+s16+$0x0], $0xffff  }
0x109: {  	v8 =	vadd.f32 v23, v8;
	v15 =	vmul.f32 v15, v25;
	v18 =	vadd.f32 v3, v18;
	v12 =	vld.idx.msk [tilespmem:v30+s17+$0x0], $0xffff  }
0x10a: {  	v5 =	vadd.f32 v19, v5;
	v6 =	vadd.f32 v27, v6;
	v16 =	vmul.f32 v16, v26;
	v31 =	vld.idx.msk [tilespmem:v35+s16+$0x0], $0xffff  }
0x10b: {  	v7 =	vadd.f32 v14, v7;
	v9 =	vadd.f32 v17, v9;
	v14 =	vmul.f32 v33, v26;
	v3 =	vld.idx.msk [tilespmem:v36+s15+$0x0], $0xffff  }
0x10c: {  	s25 =	sadd.s32 $0xFFFFFFFD, s25;
	v11 =	vadd.f32 v15, v11;
	v25 =	vmul.f32 v21, v29;
	v5 =	vadd.f32 v16, v5;
	v23 =	vld.idx.msk [tilespmem:v35+s15+$0x0], $0xffff  }
0x10d: {  	v15 =	vadd.s32 s25, v0;
	v7 =	vadd.f32 v14, v7;
	v16 =	vor.u32 v2, v28;
	v24 =	vld.idx.msk [tilespmem:v35+s17+$0x0], $0xffff  }
0x10e: {  	v14 =	vand.u32 $0x7F, v15;
	v17 =	vld.idx.msk [tilespmem:v34+s17+$0x0], $0xffff  }
0x10f: {  	v27 =	vor.u32 v2, v14;
	v26 =	vld.idx.msk [tilespmem:v34+s16+$0x0], $0xffff  }
.Ltmp4:
0x110: {  	v22 =	vld.idx.msk [tilespmem:v34+s15+$0x0], $0xffff;
	(pc) =	sbr.rel @p0 .LBB2_11-.Ltmp4, $4  }
0x111: {  	v15 =	vmul.f32 v37, v29;
	v20 =	vld.idx.msk [tilespmem:v30+s15+$0x0], $0xffff  }
0x112: {  	v21 =	vmul.f32 v31, v23;
	v14 =	vld.idx.msk [tilespmem:v36+s16+$0x0], $0xffff  }
0x113: {  	v9 =	vadd.f32 v15, v9;
	v19 =	vld.idx.msk [tilespmem:v36+s17+$0x0], $0xffff  }
0x114: {  	s28 =	smov.u32 s24;
	v15 =	vld.idx.msk [tilespmem:v27+s16+$0x0], $0xffff  }
0x115: {  	_ =	sdelay $0x3  }
0x116: {  	v2 =	vld.idx.msk [tilespmem:v27+s15+$0x0], $0xffff  }
0x117: {  	v52 =	vld.idx.msk [tilespmem:v27+s17+$0x0], $0xffff  }
0x118: {  	v28 =	vld.idx.msk [tilespmem:v13+s17+$0x0], $0xffff  }
0x119: {  	v29 =	vld.idx.msk [tilespmem:v13+s16+$0x0], $0xffff  }
0x11a: {  	v26 =	vmul.f32 v26, v22;
	v53 =	vld.idx.msk [tilespmem:v13+s15+$0x0], $0xffff  }
0x11b: {  	v23 =	vmul.f32 v24, v23;
	v54 =	vld.idx.msk [tilespmem:v16+s15+$0x0], $0xffff;
	v17 =	vmul.f32 v17, v22  }
0x11c: {  	v18 =	vadd.f32 v25, v18;
	v55 =	vld.idx.msk [tilespmem:v16+s16+$0x0], $0xffff;
	v12 =	vmul.f32 v12, v20;
	v4 =	vmul.f32 v4, v20  }
0x11d: {  	v56 =	vld.idx.msk [tilespmem:v16+s17+$0x0], $0xffff;
	v10 =	vadd.f32 v26, v10;
	v8 =	vadd.f32 v17, v8;
	v19 =	vmul.f32 v19, v3  }
0x11e: {  	v3 =	vmul.f32 v14, v3;
	v4 =	vadd.f32 v4, v11;
	v6 =	vadd.f32 v12, v6  }
0x11f: {  	v10 =	vadd.f32 v21, v10;
	v57 =	vmul.f32 v52, v2;
	v58 =	vmul.f32 v28, v53  }
0x120: {  	v8 =	vadd.f32 v23, v8;
	v59 =	vmul.f32 v29, v53;
	v2 =	vmul.f32 v15, v2  }
0x121: {  	v3 =	vadd.f32 v3, v7;
	v61 =	vmul.f32 v55, v54;
	v5 =	vadd.f32 v19, v5  }
0x122: {  	v62 =	vmul.f32 v56, v54;
	v60 =	vadd.f32 v58, v18;
	v9 =	vadd.f32 v59, v9  }
0x123: {  	v2 =	vadd.f32 v2, v4;
	v3 =	vadd.f32 v61, v3  }
0x124: {  	s21 =	sadd.s32 $0x1, s21;
	v63 =	vadd.f32 v57, v6;
	v5 =	vadd.f32 v62, v5  }
0x125: {  	p0 =	sne.s32 s21, $0x8;
	v2 =	vadd.f32 v10, v2;
	v3 =	vadd.f32 v3, v9  }
.Ltmp5:
0x126: {  	v4 =	vadd.f32 v8, v63;
	v5 =	vadd.f32 v5, v60;
	(pc) =	sbr.rel @p0 .LBB2_10-.Ltmp5, $4  }
0x127: {  	v2 =	vadd.f32 v3, v2  }
0x128: {  	v3 =	vadd.f32 v5, v4  }
0x129: {  	[tilespmem:s23+$0x18700] =	vst v2  }
0x12a: {  	[tilespmem:s23+$0x18900] =	vst v3  }
0x12b: {  	_ =	swait.ge [sflag:s26], $0x4000  }
0x12c: {  	[sflag:s26] =	ssyncset.done $0x0  }
0x12d: {  	[sflag:s26] =	ssyncadd.s32 $0xFFFFC000  }
0x12e: {  	_ =	swait.ge [sflag:s26], $0x4000  }
0x12f: {  	[sflag:s26] =	ssyncset.done $0x0  }
0x130: {  	[sflag:s26] =	ssyncadd.s32 $0xFFFFC000  }
0x131: {  	_ =	swait.ge [sflag:s26], $0x4000  }
0x132: {  	[sflag:s26] =	ssyncset.done $0x0  }
0x133: {  	s21 =	simm.s32 $0x0;
	[sflag:s26] =	ssyncadd.s32 $0xFFFFC000  }
.LBB2_14:
0x134: {  	s23 =	sshll.u32 s21, $0x4  }
0x135: {  	s24 =	sor.u32 $0x80, s23  }
0x136: {  	s29 =	simm.s32 $0x2;
	v2 =	vmov s24  }
0x137: {  	v3 =	vadd.s32 s29, v0;
	v2 =	vshll.u32 v2, $0x7  }
0x138: {  	v3 =	vand.u32 $0x7F, v3;
	v2 =	vor.u32 v1, v2  }
0x139: {  	s30 =	simm.s32 $0x0;
	v3 =	vor.u32 v2, v3  }
0x13a: {  	v4 =	vadd.s32 s30, v0  }
0x13b: {  	v4 =	vand.u32 $0x7F, v4  }
0x13c: {  	s31 =	simm.s32 $0x5;
	v5 =	vor.u32 v2, v4  }
0x13d: {  	s25 =	simm.s32 $0x3;
	v4 =	vadd.s32 s31, v0  }
0x13e: {  	v6 =	vadd.s32 s25, v0;
	v4 =	vand.u32 $0x7F, v4;
	v8 =	vld.idx.msk [tilespmem:v3+s17+$0x0], $0xffff  }
0x13f: {  	s25 =	simm.s32 $0x1;
	v7 =	vor.u32 v2, v4;
	v4 =	vand.u32 $0x7F, v6;
	v6 =	vld.idx.msk [tilespmem:v3+s15+$0x0], $0xffff  }
0x140: {  	v10 =	vor.u32 v2, v4;
	v4 =	vadd.s32 s25, v0;
	v9 =	vld.idx.msk [tilespmem:v3+s16+$0x0], $0xffff  }
0x141: {  	v3 =	vand.u32 $0x7F, v4;
	v4 =	vld.idx.msk [tilespmem:v5+s16+$0x0], $0xffff  }
0x142: {  	v12 =	vld.idx.msk [tilespmem:v5+s17+$0x0], $0xffff  }
0x143: {  	v20 =	vld.idx.msk [tilespmem:v5+s15+$0x0], $0xffff  }
0x144: {  	v15 =	vld.idx.msk [tilespmem:v7+s16+$0x0], $0xffff  }
0x145: {  	s29 =	simm.s32 $0x4;
	v11 =	vor.u32 v2, v3;
	v23 =	vld.idx.msk [tilespmem:v7+s15+$0x0], $0xffff  }
0x146: {  	v13 =	vadd.s32 s29, v0;
	v24 =	vld.idx.msk [tilespmem:v7+s17+$0x0], $0xffff  }
0x147: {  	s30 =	simm.s32 $0x6;
	v7 =	vand.u32 $0x7F, v13;
	v3 =	vld.idx.msk [tilespmem:v10+s15+$0x0], $0xffff  }
0x148: {  	v18 =	vimm.f32 $0.0e+00;
	s31 =	simm.s32 $0x7;
	v13 =	vadd.s32 s30, v0;
	v27 =	vor.u32 v2, v7;
	v14 =	vld.idx.msk [tilespmem:v10+s16+$0x0], $0xffff  }
0x149: {  	v5 =	vimm.f32 $0.0e+00;
	v7 =	vadd.s32 s31, v0;
	v13 =	vand.u32 $0x7F, v13;
	v19 =	vld.idx.msk [tilespmem:v10+s17+$0x0], $0xffff  }
0x14a: {  	v10 =	vimm.f32 $0.0e+00;
	v7 =	vand.u32 $0x7F, v7;
	v13 =	vor.u32 v2, v13;
	v26 =	vld.idx.msk [tilespmem:v11+s16+$0x0], $0xffff  }
0x14b: {  	v9 =	vmul.f32 v9, v6;
	v25 =	vmul.f32 v8, v6;
	v16 =	vor.u32 v2, v7;
	v22 =	vld.idx.msk [tilespmem:v11+s15+$0x0], $0xffff  }
0x14c: {  	v8 =	vimm.f32 $0.0e+00;
	v6 =	vimm.f32 $0.0e+00;
	v7 =	vimm.f32 $0.0e+00;
	v17 =	vld.idx.msk [tilespmem:v11+s17+$0x0], $0xffff  }
0x14d: {  	s28 =	simm.s32 $0xF;
	v11 =	vimm.f32 $0.0e+00;
	v21 =	vmul.f32 v15, v23;
	v9 =	vadd.f32 v9, v18;
	v15 =	vld.idx.msk [tilespmem:v27+s16+$0x0], $0xffff  }
.LBB2_15:
0x14e: {  	s24 =	sadd.s32 $0xFFFFFFFB, s28  }
0x14f: {  	s29 =	sadd.s32 $0xFFFFFFFC, s28;
	s30 =	sadd.s32 $0xFFFFFFFF, s28;
	v28 =	vadd.s32 s28, v0;
	v18 =	vadd.f32 v25, v18;
	v25 =	vld.idx.msk [tilespmem:v27+s15+$0x0], $0xffff;
	v23 =	vmul.f32 v24, v23;
	s25 =	smov.u32 s28  }
0x150: {  	v26 =	vmul.f32 v26, v22;
	s31 =	sadd.s32 $0xFFFFFFF9, s25;
	v24 =	vadd.s32 s24, v0;
	v29 =	vadd.s32 s29, v0;
	s29 =	sadd.s32 $0xFFFFFFFE, s25;
	s24 =	sadd.s32 $0x8, s28;
	v27 =	vld.idx.msk [tilespmem:v27+s17+$0x0], $0xffff  }
0x151: {  	p0 =	sne.s32 s28, $0x7F;
	v12 =	vmul.f32 v12, v20;
	v30 =	vadd.s32 s31, v0;
	v24 =	vand.u32 $0x7F, v24;
	v31 =	vld.idx.msk [tilespmem:v13+s17+$0x0], $0xffff  }
0x152: {  	s28 =	sadd.s32 $0xFFFFFFFA, s25;
	v28 =	vand.u32 $0x7F, v28;
	v30 =	vand.u32 $0x7F, v30;
	v24 =	vor.u32 v2, v24;
	v32 =	vld.idx.msk [tilespmem:v13+s16+$0x0], $0xffff  }
0x153: {  	v17 =	vmul.f32 v17, v22;
	v33 =	vadd.s32 s28, v0;
	v30 =	vor.u32 v2, v30;
	v22 =	vld.idx.msk [tilespmem:v13+s15+$0x0], $0xffff  }
0x154: {  	v10 =	vadd.f32 v26, v10;
	v13 =	vand.u32 $0x7F, v33;
	v33 =	vadd.s32 s29, v0;
	v26 =	vld.idx.msk [tilespmem:v16+s15+$0x0], $0xffff  }
0x155: {  	v20 =	vmul.f32 v4, v20;
	v34 =	vor.u32 v2, v13;
	v13 =	vand.u32 $0x7F, v33;
	v33 =	vld.idx.msk [tilespmem:v16+s16+$0x0], $0xffff  }
0x156: {  	v4 =	vadd.s32 s30, v0;
	v10 =	vadd.f32 v21, v10;
	v35 =	vor.u32 v2, v13;
	v16 =	vld.idx.msk [tilespmem:v16+s17+$0x0], $0xffff  }
0x157: {  	v4 =	vand.u32 $0x7F, v4;
	v19 =	vmul.f32 v19, v3;
	v13 =	vand.u32 $0x7F, v29;
	v21 =	vld.idx.msk [tilespmem:v24+s17+$0x0], $0xffff  }
0x158: {  	v27 =	vmul.f32 v27, v25;
	v36 =	vor.u32 v2, v13;
	v13 =	vor.u32 v2, v4;
	v29 =	vld.idx.msk [tilespmem:v24+s15+$0x0], $0xffff  }
0x159: {  	v8 =	vadd.f32 v17, v8;
	v14 =	vmul.f32 v14, v3;
	v3 =	vmul.f32 v31, v22;
	v37 =	vld.idx.msk [tilespmem:v24+s16+$0x0], $0xffff  }
0x15a: {  	v11 =	vadd.f32 v20, v11;
	v6 =	vadd.f32 v12, v6;
	v17 =	vmul.f32 v32, v22;
	v4 =	vld.idx.msk [tilespmem:v30+s16+$0x0], $0xffff  }
0x15b: {  	v8 =	vadd.f32 v23, v8;
	v15 =	vmul.f32 v15, v25;
	v18 =	vadd.f32 v3, v18;
	v12 =	vld.idx.msk [tilespmem:v30+s17+$0x0], $0xffff  }
0x15c: {  	v5 =	vadd.f32 v19, v5;
	v6 =	vadd.f32 v27, v6;
	v16 =	vmul.f32 v16, v26;
	v31 =	vld.idx.msk [tilespmem:v35+s16+$0x0], $0xffff  }
0x15d: {  	v7 =	vadd.f32 v14, v7;
	v9 =	vadd.f32 v17, v9;
	v14 =	vmul.f32 v33, v26;
	v3 =	vld.idx.msk [tilespmem:v36+s15+$0x0], $0xffff  }
0x15e: {  	s25 =	sadd.s32 $0xFFFFFFFD, s25;
	v11 =	vadd.f32 v15, v11;
	v25 =	vmul.f32 v21, v29;
	v5 =	vadd.f32 v16, v5;
	v23 =	vld.idx.msk [tilespmem:v35+s15+$0x0], $0xffff  }
0x15f: {  	v15 =	vadd.s32 s25, v0;
	v7 =	vadd.f32 v14, v7;
	v16 =	vor.u32 v2, v28;
	v24 =	vld.idx.msk [tilespmem:v35+s17+$0x0], $0xffff  }
0x160: {  	v14 =	vand.u32 $0x7F, v15;
	v17 =	vld.idx.msk [tilespmem:v34+s17+$0x0], $0xffff  }
0x161: {  	v27 =	vor.u32 v2, v14;
	v26 =	vld.idx.msk [tilespmem:v34+s16+$0x0], $0xffff  }
.Ltmp6:
0x162: {  	v22 =	vld.idx.msk [tilespmem:v34+s15+$0x0], $0xffff;
	(pc) =	sbr.rel @p0 .LBB2_15-.Ltmp6, $4  }
0x163: {  	v15 =	vmul.f32 v37, v29;
	v20 =	vld.idx.msk [tilespmem:v30+s15+$0x0], $0xffff  }
0x164: {  	v21 =	vmul.f32 v31, v23;
	v14 =	vld.idx.msk [tilespmem:v36+s16+$0x0], $0xffff  }
0x165: {  	v9 =	vadd.f32 v15, v9;
	v19 =	vld.idx.msk [tilespmem:v36+s17+$0x0], $0xffff  }
0x166: {  	s28 =	smov.u32 s24;
	v15 =	vld.idx.msk [tilespmem:v27+s16+$0x0], $0xffff  }
0x167: {  	_ =	sdelay $0x3  }
0x168: {  	v2 =	vld.idx.msk [tilespmem:v27+s15+$0x0], $0xffff  }
0x169: {  	v52 =	vld.idx.msk [tilespmem:v27+s17+$0x0], $0xffff  }
0x16a: {  	v28 =	vld.idx.msk [tilespmem:v13+s17+$0x0], $0xffff  }
0x16b: {  	v29 =	vld.idx.msk [tilespmem:v13+s16+$0x0], $0xffff  }
0x16c: {  	v26 =	vmul.f32 v26, v22;
	v53 =	vld.idx.msk [tilespmem:v13+s15+$0x0], $0xffff  }
0x16d: {  	v23 =	vmul.f32 v24, v23;
	v54 =	vld.idx.msk [tilespmem:v16+s15+$0x0], $0xffff;
	v17 =	vmul.f32 v17, v22  }
0x16e: {  	v18 =	vadd.f32 v25, v18;
	v55 =	vld.idx.msk [tilespmem:v16+s16+$0x0], $0xffff;
	v12 =	vmul.f32 v12, v20;
	v4 =	vmul.f32 v4, v20  }
0x16f: {  	v56 =	vld.idx.msk [tilespmem:v16+s17+$0x0], $0xffff;
	v10 =	vadd.f32 v26, v10;
	v8 =	vadd.f32 v17, v8;
	v19 =	vmul.f32 v19, v3  }
0x170: {  	v3 =	vmul.f32 v14, v3;
	v4 =	vadd.f32 v4, v11;
	v6 =	vadd.f32 v12, v6  }
0x171: {  	v10 =	vadd.f32 v21, v10;
	v57 =	vmul.f32 v52, v2;
	v58 =	vmul.f32 v28, v53  }
0x172: {  	v8 =	vadd.f32 v23, v8;
	v59 =	vmul.f32 v29, v53;
	v2 =	vmul.f32 v15, v2  }
0x173: {  	v3 =	vadd.f32 v3, v7;
	v61 =	vmul.f32 v55, v54;
	v5 =	vadd.f32 v19, v5  }
0x174: {  	v62 =	vmul.f32 v56, v54;
	v60 =	vadd.f32 v58, v18;
	v9 =	vadd.f32 v59, v9  }
0x175: {  	v2 =	vadd.f32 v2, v4;
	v3 =	vadd.f32 v61, v3  }
0x176: {  	s21 =	sadd.s32 $0x1, s21;
	v63 =	vadd.f32 v57, v6;
	v5 =	vadd.f32 v62, v5  }
0x177: {  	p0 =	sne.s32 s21, $0x8;
	v2 =	vadd.f32 v10, v2;
	v3 =	vadd.f32 v3, v9  }
.Ltmp7:
0x178: {  	v4 =	vadd.f32 v8, v63;
	v5 =	vadd.f32 v5, v60;
	(pc) =	sbr.rel @p0 .LBB2_14-.Ltmp7, $4  }
0x179: {  	v2 =	vadd.f32 v3, v2  }
0x17a: {  	v3 =	vadd.f32 v5, v4  }
0x17b: {  	[tilespmem:s23+$0x18780] =	vst v2  }
0x17c: {  	[tilespmem:s23+$0x18980] =	vst v3  }
0x17d: {  	s21 =	simm.s32 $0x18600  }
0x17e: {  	[hbm4b:s8+s4] =	stream.linear.scatter [tilespmem:s21], [sflag:$0x3], $0x200, $0x38;
	[tilespmem:$0x18A00] =	vst v63  }
0x17f: {  	s19 =	sadd.s32 $0x1, s19;
	_ =	swait.ge [sflag:s0], $0x200  }
0x180: {  	p0 =	sne.s32 s19, s10;
	[sflag:s0] =	ssyncset.done $0x0  }
.Ltmp8:
0x181: {  	[sflag:s0] =	ssyncadd.s32 $0xFFFFFE00;
	(pc) =	sbr.rel @p0 .LBB2_1-.Ltmp8, $4  }
0x182: {  	[hbm4b:s9+s4] =	stream.linear.scatter [tilespmem:s3], [sflag:$0x3], $0x200, $0x38;
	[tilespmem:$0x18A00] =	vst v63  }
0x183: {  	_ =	swait.ge [sflag:s0], $0x200  }
0x184: {  	[sflag:s0] =	ssyncset.done $0x0  }
0x185: {  	[sflag:s0] =	ssyncadd.s32 $0xFFFFFE00  }
0x186: {  	_ =	sfence.sel $0x180000  }
0x187: {  	[bflag:$0x0] =	sbarrier.arrive $0xFFFF  }
0x188: {  	_ =	strace $0x90000047  }
0x189: {  	s0 =	stileid.u32;
	[bflag:$0x2] =	sbarrier.arrive $0xFFFF  }
0x18a: {  	p0 =	sne.s32 s0, $0x0;
	s0 =	rddreg [dreg:$0x7]  }
0x18b: {  	s0 =	sadd.s32 @!p0 $0x100000, s0  }
0x18c: {  	[sflag:s0] =	ssyncadd.tile.s32 @!p0 $0x1;
	_ =	shalt  }
.Lfunc_end2:
_tile_overlayer_lowered:
.L_overlay_start_2:
0x18d: {  	(tag) =	ssettag $0x2  }
0x18e: {  	s0 =	rddreg [dreg:$0x0];
	s2 =	stileid.u32  }
0x18f: {  	s1 =	rddreg [dreg:$0x1];
	p0 =	sne.s32 s2, $0x0  }
0x190: {  	s3 =	rddreg [dreg:$0x2];
	[bflag:$0x3] =	sbarrier.arrive $0xFFFF;
	s2 =	simm.s32 @!p0 $0x1C03  }
0x191: {  	[timem:s3], [sflag:s2] =	dma.local @!p0 [hbm:s0], s1  }
0x192: {  	s0 =	simm.s32 @!p0 $0x3  }
0x193: {  	_ =	swait.ge @!p0 [sflag:s0], s1  }
0x194: {  	s1 =	ssub.s32 @!p0 $0x0, s1;
	[sflag:s0] =	ssyncset.done @!p0 $0x0  }
0x195: {  	[sflag:s0] =	ssyncadd.s32 @!p0 s1  }
0x196: {  	[bflag:$0x3] =	sbarrier.arrive $0xFFFF  }
0x197: {  	_ =	shalt  }

</sc_bundles>
